<compile_context>
chip_gen: v7x
topology: tpu7x:2x2x1
jax: 0.10.2.dev20260603
libtpu: 0.0.44.dev20260713+nightly
codegen_flags: <defaults>
</compile_context>

<pallas_src>
import jax
import jax.numpy as jnp
from jax import lax
from jax.experimental import pallas as pl
from jax.experimental.pallas import tpu as pltpu

_N = 131072
_K = 32
_S = 256
_G = 128
_RB = 256
_INTERPRET = False


def _shift_down(x, d, fill):
    pad = jnp.full((d,) + x.shape[1:], fill, x.dtype)
    return jnp.concatenate([pad, x[:-d]], axis=0)


def _sample_sort_body(scal_ref, dens_ref, u_ref, out_ref):
    tn = scal_ref[0:1, :]
    tf = scal_ref[1:2, :]
    dn = scal_ref[2:3, :]
    dens = dens_ref[...]
    u = u_ref[...]

    span = tf - tn
    delta = span * (dn * (1.0 / (_K - 1.0)))

    a = 1.0 - jnp.exp(-jnp.maximum(dens, 0.0) * delta)
    q = 1.0 - a + 1e-10
    p = _shift_down(q, 1, 1.0)
    for d in (1, 2, 4, 8, 16):
        p = p * _shift_down(p, d, 1.0)
    w = a * p

    riota = lax.broadcasted_iota(jnp.int32, (_K, 1), 0)
    r = jnp.where(riota < _K - 1, w + 1e-5, 0.0)
    total = jnp.sum(r, axis=0, keepdims=True)
    inv_total = 1.0 / total
    csum = r
    for d in (1, 2, 4, 8, 16):
        csum = csum + _shift_down(csum, d, 0.0)
    cdf = _shift_down(csum, 1, 0.0) * inv_total
    cdf_next = csum * inv_total

    jf = riota.astype(jnp.float32) * (1.0 / (_K - 1.0))
    ts = tn + span * jf
    tsn = jnp.concatenate([ts[1:], ts[-1:]], axis=0)
    denom = cdf_next - cdf
    denom = jnp.where(denom < 1e-5, 1.0, denom)
    slope = jnp.where(riota < _K - 1, (tsn - ts) / denom, 0.0)

    cb = jnp.broadcast_to(cdf[0:1], (_S, _RB))
    tb = jnp.broadcast_to(ts[0:1], (_S, _RB))
    sb = jnp.broadcast_to(slope[0:1], (_S, _RB))
    for j in range(1, _K):
        m = u >= cdf[j:j + 1]
        cb = jnp.where(m, cdf[j:j + 1], cb)
        tb = jnp.where(m, ts[j:j + 1], tb)
        sb = jnp.where(m, slope[j:j + 1], sb)
    x = tb + (u - cb) * sb

    p = 1
    while p < _S:
        k = p
        while k >= 1:
            if k == p:
                z = x.reshape(_S // (2 * p), 2, p, _RB)
                lo = z[:, 0]
                hi = z[:, 1]
                x = jnp.concatenate(
                    [jnp.minimum(lo, hi)[:, None], jnp.maximum(lo, hi)[:, None]],
                    axis=1).reshape(_S, _RB)
            else:
                b = x.reshape(_S // (2 * p), 2 * p, _RB)
                head = b[:, :k]
                tail = b[:, 2 * p - k:]
                mid = b[:, k:2 * p - k].reshape(
                    _S // (2 * p), (2 * p - 2 * k) // (2 * k), 2, k, _RB)
                lo = mid[:, :, 0]
                hi = mid[:, :, 1]
                mid2 = jnp.concatenate(
                    [jnp.minimum(lo, hi)[:, :, None],
                     jnp.maximum(lo, hi)[:, :, None]],
                    axis=2).reshape(_S // (2 * p), 2 * p - 2 * k, _RB)
                x = jnp.concatenate([head, mid2, tail], axis=1).reshape(_S, _RB)
            k //= 2
        p *= 2

    out_ref[...] = x


def _stage_b(scal, dens_t, u_t):
    return pl.pallas_call(
        _sample_sort_body,
        grid=(_N // _RB,),
        in_specs=[
            pl.BlockSpec((8, _RB), lambda i: (0, i)),
            pl.BlockSpec((_K, _RB), lambda i: (0, i)),
            pl.BlockSpec((_S, _RB), lambda i: (0, i)),
        ],
        out_specs=pl.BlockSpec((_S, _RB), lambda i: (0, i)),
        out_shape=jax.ShapeDtypeStruct((_S, _N), jnp.float32),
        interpret=_INTERPRET,
    )(scal, dens_t, u_t)


def _density_jnp(grid, tnear, tfar, origins, dirs):
    s = jnp.linspace(0.0, 1.0, _K)
    ts = tnear + (tfar - tnear) * s[None, :]
    pts = origins[:, None, :] + dirs[:, None, :] * ts[:, :, None]
    g = grid.shape[0]
    coords = (pts + 1.0) * 0.5 * (g - 1)
    coords = jnp.clip(coords, 0.0, g - 1 - 1e-6)
    c0 = jnp.floor(coords).astype(jnp.int32)
    c1 = jnp.minimum(c0 + 1, g - 1)
    f = coords - c0.astype(coords.dtype)
    x0, y0, z0 = c0[..., 0], c0[..., 1], c0[..., 2]
    x1, y1, z1 = c1[..., 0], c1[..., 1], c1[..., 2]
    fx, fy, fz = f[..., 0], f[..., 1], f[..., 2]
    v000 = grid[x0, y0, z0]
    v001 = grid[x0, y0, z1]
    v010 = grid[x0, y1, z0]
    v011 = grid[x0, y1, z1]
    v100 = grid[x1, y0, z0]
    v101 = grid[x1, y0, z1]
    v110 = grid[x1, y1, z0]
    v111 = grid[x1, y1, z1]
    v00 = v000 * (1 - fz) + v001 * fz
    v01 = v010 * (1 - fz) + v011 * fz
    v10 = v100 * (1 - fz) + v101 * fz
    v11 = v110 * (1 - fz) + v111 * fz
    v0 = v00 * (1 - fy) + v01 * fy
    v1 = v10 * (1 - fy) + v11 * fy
    return v0 * (1 - fx) + v1 * fx


def kernel(tnear, tfar, origins, dirs, dnorm, grid, u_rand):
    dens = _density_jnp(grid, tnear, tfar, origins, dirs)
    zeros = jnp.zeros((5, _N), jnp.float32)
    scal = jnp.concatenate(
        [tnear.T, tfar.T, dnorm.T, zeros], axis=0)
    out_t = _stage_b(scal, dens.T, u_rand.T)
    return out_t.T

# --- scband reference (transcript-rebuilt; emitter-appended) ---
"""Pipeline reference for scband-informed-ray-step-sampler-43516608643396 (READ-ONLY COPY).

The authoritative reference and input builder live on the scoring server;
editing this copy changes nothing except your own understanding.
"""

import jax, jax.numpy as jnp
import numpy as np

N = 131072
N_COARSE = 32
N_SAMPLES = 256
G = 128


def setup_inputs(seed: int = 0) -> dict:
    key = jax.random.key(seed)
    k1, k2, k3, k4, k5, k6 = jax.random.split(key, 6)
    tnear = jax.random.uniform(k1, (N, 1), minval=0.1, maxval=0.5)
    tfar = tnear + jax.random.uniform(k2, (N, 1), minval=1.0, maxval=3.0)
    origins = jax.random.uniform(k3, (N, 3), minval=-0.1, maxval=0.1)
    dirs = jax.random.normal(k4, (N, 3))
    dirs = dirs / jnp.linalg.norm(dirs, axis=-1, keepdims=True)
    dnorm = jnp.ones((N, 1), dtype=jnp.float32)
    grid = jax.random.uniform(k5, (G, G, G)) * 2.0
    u_rand = jax.random.uniform(k6, (N, N_SAMPLES))
    return {"tnear": tnear, "tfar": tfar, "origins": origins, "dirs": dirs, "dnorm": dnorm, "grid": grid, "u_rand": u_rand}


def _sample_grid(grid, pts):
    # trilinear interpolation of density grid; pts in AABB [-1, 1]^3
    g = grid.shape[0]
    coords = (pts + 1.0) * 0.5 * (g - 1)
    coords = jnp.clip(coords, 0.0, g - 1 - 1e-6)
    c0 = jnp.floor(coords).astype(jnp.int32)
    c1 = jnp.minimum(c0 + 1, g - 1)
    f = coords - c0.astype(coords.dtype)
    x0, y0, z0 = c0[..., 0], c0[..., 1], c0[..., 2]
    x1, y1, z1 = c1[..., 0], c1[..., 1], c1[..., 2]
    fx, fy, fz = f[..., 0], f[..., 1], f[..., 2]
    v000 = grid[x0, y0, z0]
    v001 = grid[x0, y0, z1]
    v010 = grid[x0, y1, z0]
    v011 = grid[x0, y1, z1]
    v100 = grid[x1, y0, z0]
    v101 = grid[x1, y0, z1]
    v110 = grid[x1, y1, z0]
    v111 = grid[x1, y1, z1]
    v00 = v000 * (1 - fz) + v001 * fz
    v01 = v010 * (1 - fz) + v011 * fz
    v10 = v100 * (1 - fz) + v101 * fz
    v11 = v110 * (1 - fz) + v111 * fz
    v0 = v00 * (1 - fy) + v01 * fy
    v1 = v10 * (1 - fy) + v11 * fy
    return v0 * (1 - fx) + v1 * fx


def reference(tnear, tfar, origins, dirs, dnorm, grid, u_rand):
    n = tnear.shape[0]
    # batch_linspace: coarse ray steps
    s = jnp.linspace(0.0, 1.0, N_COARSE)
    ts = tnear + (tfar - tnear) * s[None, :]  # [N, K]
    # rays(ts): world points, then volume density sample
    pts = origins[:, None, :] + dirs[:, None, :] * ts[:, :, None]  # [N, K, 3]
    density = _sample_grid(grid, pts)  # [N, K]
    # integrate_timesteps -> coarse weights (alpha compositing)
    dists = ts[:, 1:] - ts[:, :-1]
    dists = jnp.concatenate([dists, jnp.full((n, 1), 1e10, dtype=ts.dtype)], axis=-1)
    dists = dists * dnorm
    alpha = 1.0 - jnp.exp(-jax.nn.relu(density) * dists)
    trans = jnp.cumprod(jnp.concatenate([jnp.ones((n, 1), dtype=alpha.dtype), 1.0 - alpha + 1e-10], axis=-1)[:, :-1], axis=-1)
    weights = alpha * trans  # [N, K]
    # sample_ray_step_informed: inverse transform sampling along each ray
    pdf = weights[:, :-1] + 1e-5
    pdf = pdf / jnp.sum(pdf, axis=-1, keepdims=True)
    cdf = jnp.concatenate([jnp.zeros((n, 1), dtype=pdf.dtype), jnp.cumsum(pdf, axis=-1)], axis=-1)  # [N, K]
    u = u_rand  # [N, n_samples]
    inds = jax.vmap(lambda c, uu: jnp.searchsorted(c, uu, side='right'))(cdf, u)
    below = jnp.clip(inds - 1, 0, cdf.shape[1] - 1)
    above = jnp.clip(inds, 0, cdf.shape[1] - 1)
    cdf_b = jnp.take_along_axis(cdf, below, axis=-1)
    cdf_a = jnp.take_along_axis(cdf, above, axis=-1)
    bins_b = jnp.take_along_axis(ts, below, axis=-1)
    bins_a = jnp.take_along_axis(ts, above, axis=-1)
    denom = cdf_a - cdf_b
    denom = jnp.where(denom < 1e-5, 1.0, denom)
    t = (u - cdf_b) / denom
    samples = bins_b + t * (bins_a - bins_b)
    ts_informed = jnp.sort(samples, axis=-1)
    return ts_informed

if __name__ == "__main__":
    import jax
    _d = setup_inputs()
    print(jax.jit(kernel)(*tuple(_d.values())))

</pallas_src>

<mosaic_0001>
module attributes {stable_mosaic.version = 14 : i64} {
  func.func @_sample_sort_body(%arg0: i32, %arg1: memref<8x256xf32, #tpu.memory_space<vmem>>, %arg2: memref<32x256xf32, #tpu.memory_space<vmem>>, %arg3: memref<256x256xf32, #tpu.memory_space<vmem>>, %arg4: memref<256x256xf32, #tpu.memory_space<vmem>>) attributes {dimension_semantics = [#tpu.dimension_semantics<arbitrary>], iteration_bounds = array<i64: 512>, scalar_prefetch = 0 : i64, scratch_operands = 0 : i64, tpu.core_type = #tpu.core_type<tc>, window_params = [{transform_indices = @transform_0, window_bounds = array<i64: 8, 256>}, {transform_indices = @transform_1, window_bounds = array<i64: 32, 256>}, {transform_indices = @transform_2, window_bounds = array<i64: 256, 256>}, {transform_indices = @transform_3, window_bounds = array<i64: 256, 256>}]} {
    %get3A = arith.constant 0 : index
    %get3A_0 = arith.constant 0 : index
    %get3A_1 = vector.load %arg1[%get3A, %get3A_0] : memref<8x256xf32, #tpu.memory_space<vmem>>, vector<1x256xf32>
    %get3A_2 = arith.constant 1 : index
    %get3A_3 = arith.constant 0 : index
    %get3A_4 = vector.load %arg1[%get3A_2, %get3A_3] : memref<8x256xf32, #tpu.memory_space<vmem>>, vector<1x256xf32>
    %get3A_5 = arith.constant 2 : index
    %get3A_6 = arith.constant 0 : index
    %get3A_7 = vector.load %arg1[%get3A_5, %get3A_6] : memref<8x256xf32, #tpu.memory_space<vmem>>, vector<1x256xf32>
    %get3A_8 = arith.constant 0 : index
    %get3A_9 = arith.constant 0 : index
    %get3A_10 = vector.load %arg2[%get3A_8, %get3A_9] : memref<32x256xf32, #tpu.memory_space<vmem>>, vector<32x256xf32>
    %get3A_11 = arith.constant 0 : index
    %get3A_12 = arith.constant 0 : index
    %get3A_13 = vector.load %arg3[%get3A_11, %get3A_12] : memref<256x256xf32, #tpu.memory_space<vmem>>, vector<256x256xf32>
    %sub3A = arith.subf %get3A_4, %get3A_1 : vector<1x256xf32>
    %mul3A = arith.constant 0.0322580636 : f32
    %mul3A_14 = vector.broadcast %mul3A : f32 to vector<1x256xf32>
    %mul3A_15 = arith.mulf %get3A_7, %mul3A_14 : vector<1x256xf32>
    %mul3A_16 = arith.mulf %sub3A, %mul3A_15 : vector<1x256xf32>
    %max3A = arith.constant 0.000000e+00 : f32
    %max3A_17 = vector.broadcast %max3A : f32 to vector<32x256xf32>
    %max3A_18 = arith.maximumf %get3A_10, %max3A_17 : vector<32x256xf32>
    %neg3A = arith.constant 0.000000e+00 : f32
    %neg3A_19 = vector.broadcast %neg3A : f32 to vector<32x256xf32>
    %neg3A_20 = arith.subf %neg3A_19, %max3A_18 : vector<32x256xf32>
    %mul3A_21 = vector.broadcast %mul3A_16 : vector<1x256xf32> to vector<32x256xf32>
    %mul3A_22 = arith.mulf %neg3A_20, %mul3A_21 : vector<32x256xf32>
    %exp3A = math.exp %mul3A_22 : vector<32x256xf32>
    %sub3A_23 = arith.constant 1.000000e+00 : f32
    %sub3A_24 = vector.broadcast %sub3A_23 : f32 to vector<32x256xf32>
    %sub3A_25 = arith.subf %sub3A_24, %exp3A : vector<32x256xf32>
    %sub3A_26 = arith.constant 1.000000e+00 : f32
    %sub3A_27 = vector.broadcast %sub3A_26 : f32 to vector<32x256xf32>
    %sub3A_28 = arith.subf %sub3A_27, %sub3A_25 : vector<32x256xf32>
    %add3A = arith.constant 1.000000e-10 : f32
    %add3A_29 = vector.broadcast %add3A : f32 to vector<32x256xf32>
    %add3A_30 = arith.addf %sub3A_28, %add3A_29 : vector<32x256xf32>
    %broadcast_in_dim3A = arith.constant 1.000000e+00 : f32
    %broadcast_in_dim3A_31 = vector.broadcast %broadcast_in_dim3A : f32 to vector<1x256xf32>
    %slice3A = vector.extract_strided_slice %add3A_30 {offsets = [0, 0], sizes = [31, 256], strides = [1, 1]} : vector<32x256xf32> to vector<31x256xf32>
    %concatenate3A = tpu.concatenate %broadcast_in_dim3A_31, %slice3A in 0 : vector<1x256xf32>, vector<31x256xf32> -> vector<32x256xf32>
    %broadcast_in_dim3A_32 = arith.constant 1.000000e+00 : f32
    %broadcast_in_dim3A_33 = vector.broadcast %broadcast_in_dim3A_32 : f32 to vector<1x256xf32>
    %slice3A_34 = vector.extract_strided_slice %concatenate3A {offsets = [0, 0], sizes = [31, 256], strides = [1, 1]} : vector<32x256xf32> to vector<31x256xf32>
    %concatenate3A_35 = tpu.concatenate %broadcast_in_dim3A_33, %slice3A_34 in 0 : vector<1x256xf32>, vector<31x256xf32> -> vector<32x256xf32>
    %mul3A_36 = arith.mulf %concatenate3A, %concatenate3A_35 : vector<32x256xf32>
    %broadcast_in_dim3A_37 = arith.constant 1.000000e+00 : f32
    %broadcast_in_dim3A_38 = vector.broadcast %broadcast_in_dim3A_37 : f32 to vector<2x256xf32>
    %slice3A_39 = vector.extract_strided_slice %mul3A_36 {offsets = [0, 0], sizes = [30, 256], strides = [1, 1]} : vector<32x256xf32> to vector<30x256xf32>
    %concatenate3A_40 = tpu.concatenate %broadcast_in_dim3A_38, %slice3A_39 in 0 : vector<2x256xf32>, vector<30x256xf32> -> vector<32x256xf32>
    %mul3A_41 = arith.mulf %mul3A_36, %concatenate3A_40 : vector<32x256xf32>
    %broadcast_in_dim3A_42 = arith.constant 1.000000e+00 : f32
    %broadcast_in_dim3A_43 = vector.broadcast %broadcast_in_dim3A_42 : f32 to vector<4x256xf32>
    %slice3A_44 = vector.extract_strided_slice %mul3A_41 {offsets = [0, 0], sizes = [28, 256], strides = [1, 1]} : vector<32x256xf32> to vector<28x256xf32>
    %concatenate3A_45 = tpu.concatenate %broadcast_in_dim3A_43, %slice3A_44 in 0 : vector<4x256xf32>, vector<28x256xf32> -> vector<32x256xf32>
    %mul3A_46 = arith.mulf %mul3A_41, %concatenate3A_45 : vector<32x256xf32>
    %broadcast_in_dim3A_47 = arith.constant 1.000000e+00 : f32
    %broadcast_in_dim3A_48 = vector.broadcast %broadcast_in_dim3A_47 : f32 to vector<8x256xf32>
    %slice3A_49 = vector.extract_strided_slice %mul3A_46 {offsets = [0, 0], sizes = [24, 256], strides = [1, 1]} : vector<32x256xf32> to vector<24x256xf32>
    %concatenate3A_50 = tpu.concatenate %broadcast_in_dim3A_48, %slice3A_49 in 0 : vector<8x256xf32>, vector<24x256xf32> -> vector<32x256xf32>
    %mul3A_51 = arith.mulf %mul3A_46, %concatenate3A_50 : vector<32x256xf32>
    %broadcast_in_dim3A_52 = arith.constant 1.000000e+00 : f32
    %broadcast_in_dim3A_53 = vector.broadcast %broadcast_in_dim3A_52 : f32 to vector<16x256xf32>
    %slice3A_54 = vector.extract_strided_slice %mul3A_51 {offsets = [0, 0], sizes = [16, 256], strides = [1, 1]} : vector<32x256xf32> to vector<16x256xf32>
    %concatenate3A_55 = tpu.concatenate %broadcast_in_dim3A_53, %slice3A_54 in 0 : vector<16x256xf32>, vector<16x256xf32> -> vector<32x256xf32>
    %mul3A_56 = arith.mulf %mul3A_51, %concatenate3A_55 : vector<32x256xf32>
    %mul3A_57 = arith.mulf %sub3A_25, %mul3A_56 : vector<32x256xf32>
    %iota3A = tpu.iota {dimensions = array<i32: 0>} : vector<32x1xi32>
    %lt3A = arith.constant 31 : i32
    %lt3A_58 = vector.broadcast %lt3A : i32 to vector<32x1xi32>
    %lt3A_59 = arith.cmpi slt, %iota3A, %lt3A_58 : vector<32x1xi32>
    %add3A_60 = arith.constant 9.99999974E-6 : f32
    %add3A_61 = vector.broadcast %add3A_60 : f32 to vector<32x256xf32>
    %add3A_62 = arith.addf %mul3A_57, %add3A_61 : vector<32x256xf32>
    %jit3A = arith.constant 0.000000e+00 : f32
    %broadcast_in_dim3A_63 = vector.shape_cast %lt3A_59 : vector<32x1xi1> to vector<32x1xi1>
    %broadcast_in_dim3A_64 = vector.broadcast %broadcast_in_dim3A_63 : vector<32x1xi1> to vector<32x256xi1>
    %broadcast_in_dim3A_65 = vector.broadcast %jit3A : f32 to vector<32x256xf32>
    %select_n3A = arith.select %broadcast_in_dim3A_64, %add3A_62, %broadcast_in_dim3A_65 : vector<32x256xi1>, vector<32x256xf32>
    %reduce_sum3A = arith.constant dense<0.000000e+00> : vector<256xf32>
    %reduce_sum3A_66 = vector.multi_reduction <add>, %select_n3A, %reduce_sum3A [0] : vector<32x256xf32> to vector<256xf32>
    %broadcast_in_dim3A_67 = vector.shape_cast %reduce_sum3A_66 : vector<256xf32> to vector<1x256xf32>
    %div3A = arith.constant 1.000000e+00 : f32
    %div3A_68 = vector.broadcast %div3A : f32 to vector<1x256xf32>
    %div3A_69 = arith.divf %div3A_68, %broadcast_in_dim3A_67 : vector<1x256xf32>
    %broadcast_in_dim3A_70 = arith.constant 0.000000e+00 : f32
    %broadcast_in_dim3A_71 = vector.broadcast %broadcast_in_dim3A_70 : f32 to vector<1x256xf32>
    %slice3A_72 = vector.extract_strided_slice %select_n3A {offsets = [0, 0], sizes = [31, 256], strides = [1, 1]} : vector<32x256xf32> to vector<31x256xf32>
    %concatenate3A_73 = tpu.concatenate %broadcast_in_dim3A_71, %slice3A_72 in 0 : vector<1x256xf32>, vector<31x256xf32> -> vector<32x256xf32>
    %add3A_74 = arith.addf %select_n3A, %concatenate3A_73 : vector<32x256xf32>
    %broadcast_in_dim3A_75 = arith.constant 0.000000e+00 : f32
    %broadcast_in_dim3A_76 = vector.broadcast %broadcast_in_dim3A_75 : f32 to vector<2x256xf32>
    %slice3A_77 = vector.extract_strided_slice %add3A_74 {offsets = [0, 0], sizes = [30, 256], strides = [1, 1]} : vector<32x256xf32> to vector<30x256xf32>
    %concatenate3A_78 = tpu.concatenate %broadcast_in_dim3A_76, %slice3A_77 in 0 : vector<2x256xf32>, vector<30x256xf32> -> vector<32x256xf32>
    %add3A_79 = arith.addf %add3A_74, %concatenate3A_78 : vector<32x256xf32>
    %broadcast_in_dim3A_80 = arith.constant 0.000000e+00 : f32
    %broadcast_in_dim3A_81 = vector.broadcast %broadcast_in_dim3A_80 : f32 to vector<4x256xf32>
    %slice3A_82 = vector.extract_strided_slice %add3A_79 {offsets = [0, 0], sizes = [28, 256], strides = [1, 1]} : vector<32x256xf32> to vector<28x256xf32>
    %concatenate3A_83 = tpu.concatenate %broadcast_in_dim3A_81, %slice3A_82 in 0 : vector<4x256xf32>, vector<28x256xf32> -> vector<32x256xf32>
    %add3A_84 = arith.addf %add3A_79, %concatenate3A_83 : vector<32x256xf32>
    %broadcast_in_dim3A_85 = arith.constant 0.000000e+00 : f32
    %broadcast_in_dim3A_86 = vector.broadcast %broadcast_in_dim3A_85 : f32 to vector<8x256xf32>
    %slice3A_87 = vector.extract_strided_slice %add3A_84 {offsets = [0, 0], sizes = [24, 256], strides = [1, 1]} : vector<32x256xf32> to vector<24x256xf32>
    %concatenate3A_88 = tpu.concatenate %broadcast_in_dim3A_86, %slice3A_87 in 0 : vector<8x256xf32>, vector<24x256xf32> -> vector<32x256xf32>
    %add3A_89 = arith.addf %add3A_84, %concatenate3A_88 : vector<32x256xf32>
    %broadcast_in_dim3A_90 = arith.constant 0.000000e+00 : f32
    %broadcast_in_dim3A_91 = vector.broadcast %broadcast_in_dim3A_90 : f32 to vector<16x256xf32>
    %slice3A_92 = vector.extract_strided_slice %add3A_89 {offsets = [0, 0], sizes = [16, 256], strides = [1, 1]} : vector<32x256xf32> to vector<16x256xf32>
    %concatenate3A_93 = tpu.concatenate %broadcast_in_dim3A_91, %slice3A_92 in 0 : vector<16x256xf32>, vector<16x256xf32> -> vector<32x256xf32>
    %add3A_94 = arith.addf %add3A_89, %concatenate3A_93 : vector<32x256xf32>
    %broadcast_in_dim3A_95 = arith.constant 0.000000e+00 : f32
    %broadcast_in_dim3A_96 = vector.broadcast %broadcast_in_dim3A_95 : f32 to vector<1x256xf32>
    %slice3A_97 = vector.extract_strided_slice %add3A_94 {offsets = [0, 0], sizes = [31, 256], strides = [1, 1]} : vector<32x256xf32> to vector<31x256xf32>
    %concatenate3A_98 = tpu.concatenate %broadcast_in_dim3A_96, %slice3A_97 in 0 : vector<1x256xf32>, vector<31x256xf32> -> vector<32x256xf32>
    %mul3A_99 = vector.broadcast %div3A_69 : vector<1x256xf32> to vector<32x256xf32>
    %mul3A_100 = arith.mulf %concatenate3A_98, %mul3A_99 : vector<32x256xf32>
    %mul3A_101 = vector.broadcast %div3A_69 : vector<1x256xf32> to vector<32x256xf32>
    %mul3A_102 = arith.mulf %add3A_94, %mul3A_101 : vector<32x256xf32>
    %convert_element_type3A = arith.sitofp %iota3A : vector<32x1xi32> to vector<32x1xf32>
    %mul3A_103 = arith.constant 0.0322580636 : f32
    %mul3A_104 = vector.broadcast %mul3A_103 : f32 to vector<32x1xf32>
    %mul3A_105 = arith.mulf %convert_element_type3A, %mul3A_104 : vector<32x1xf32>
    %mul3A_106 = vector.broadcast %sub3A : vector<1x256xf32> to vector<32x256xf32>
    %mul3A_107 = vector.broadcast %mul3A_105 : vector<32x1xf32> to vector<32x256xf32>
    %mul3A_108 = arith.mulf %mul3A_106, %mul3A_107 : vector<32x256xf32>
    %add3A_109 = vector.broadcast %get3A_1 : vector<1x256xf32> to vector<32x256xf32>
    %add3A_110 = arith.addf %add3A_109, %mul3A_108 : vector<32x256xf32>
    %slice3A_111 = vector.extract_strided_slice %add3A_110 {offsets = [1, 0], sizes = [31, 256], strides = [1, 1]} : vector<32x256xf32> to vector<31x256xf32>
    %slice3A_112 = vector.extract_strided_slice %add3A_110 {offsets = [31, 0], sizes = [1, 256], strides = [1, 1]} : vector<32x256xf32> to vector<1x256xf32>
    %concatenate3A_113 = tpu.concatenate %slice3A_111, %slice3A_112 in 0 : vector<31x256xf32>, vector<1x256xf32> -> vector<32x256xf32>
    %sub3A_114 = arith.subf %mul3A_102, %mul3A_100 : vector<32x256xf32>
    %lt3A_115 = arith.constant 9.99999974E-6 : f32
    %lt3A_116 = vector.broadcast %lt3A_115 : f32 to vector<32x256xf32>
    %lt3A_117 = arith.cmpf olt, %sub3A_114, %lt3A_116 : vector<32x256xf32>
    %jit3A_118 = arith.constant 1.000000e+00 : f32
    %broadcast_in_dim3A_119 = vector.broadcast %jit3A_118 : f32 to vector<32x256xf32>
    %select_n3A_120 = arith.select %lt3A_117, %broadcast_in_dim3A_119, %sub3A_114 : vector<32x256xi1>, vector<32x256xf32>
    %lt3A_121 = arith.constant 31 : i32
    %lt3A_122 = vector.broadcast %lt3A_121 : i32 to vector<32x1xi32>
    %lt3A_123 = arith.cmpi slt, %iota3A, %lt3A_122 : vector<32x1xi32>
    %sub3A_124 = arith.subf %concatenate3A_113, %add3A_110 : vector<32x256xf32>
    %div3A_125 = arith.divf %sub3A_124, %select_n3A_120 : vector<32x256xf32>
    %jit3A_126 = arith.constant 0.000000e+00 : f32
    %broadcast_in_dim3A_127 = vector.shape_cast %lt3A_123 : vector<32x1xi1> to vector<32x1xi1>
    %broadcast_in_dim3A_128 = vector.broadcast %broadcast_in_dim3A_127 : vector<32x1xi1> to vector<32x256xi1>
    %broadcast_in_dim3A_129 = vector.broadcast %jit3A_126 : f32 to vector<32x256xf32>
    %select_n3A_130 = arith.select %broadcast_in_dim3A_128, %div3A_125, %broadcast_in_dim3A_129 : vector<32x256xi1>, vector<32x256xf32>
    %slice3A_131 = vector.extract_strided_slice %mul3A_100 {offsets = [0, 0], sizes = [1, 256], strides = [1, 1]} : vector<32x256xf32> to vector<1x256xf32>
    %broadcast_in_dim3A_132 = vector.shape_cast %slice3A_131 : vector<1x256xf32> to vector<1x256xf32>
    %broadcast_in_dim3A_133 = vector.broadcast %broadcast_in_dim3A_132 : vector<1x256xf32> to vector<256x256xf32>
    %slice3A_134 = vector.extract_strided_slice %add3A_110 {offsets = [0, 0], sizes = [1, 256], strides = [1, 1]} : vector<32x256xf32> to vector<1x256xf32>
    %broadcast_in_dim3A_135 = vector.shape_cast %slice3A_134 : vector<1x256xf32> to vector<1x256xf32>
    %broadcast_in_dim3A_136 = vector.broadcast %broadcast_in_dim3A_135 : vector<1x256xf32> to vector<256x256xf32>
    %slice3A_137 = vector.extract_strided_slice %select_n3A_130 {offsets = [0, 0], sizes = [1, 256], strides = [1, 1]} : vector<32x256xf32> to vector<1x256xf32>
    %broadcast_in_dim3A_138 = vector.shape_cast %slice3A_137 : vector<1x256xf32> to vector<1x256xf32>
    %broadcast_in_dim3A_139 = vector.broadcast %broadcast_in_dim3A_138 : vector<1x256xf32> to vector<256x256xf32>
    %slice3A_140 = vector.extract_strided_slice %mul3A_100 {offsets = [1, 0], sizes = [1, 256], strides = [1, 1]} : vector<32x256xf32> to vector<1x256xf32>
    %ge3A = vector.broadcast %slice3A_140 : vector<1x256xf32> to vector<256x256xf32>
    %ge3A_141 = arith.cmpf oge, %get3A_13, %ge3A : vector<256x256xf32>
    %slice3A_142 = vector.extract_strided_slice %mul3A_100 {offsets = [1, 0], sizes = [1, 256], strides = [1, 1]} : vector<32x256xf32> to vector<1x256xf32>
    %broadcast_in_dim3A_143 = vector.shape_cast %slice3A_142 : vector<1x256xf32> to vector<1x256xf32>
    %broadcast_in_dim3A_144 = vector.broadcast %broadcast_in_dim3A_143 : vector<1x256xf32> to vector<256x256xf32>
    %select_n3A_145 = arith.select %ge3A_141, %broadcast_in_dim3A_144, %broadcast_in_dim3A_133 : vector<256x256xi1>, vector<256x256xf32>
    %slice3A_146 = vector.extract_strided_slice %add3A_110 {offsets = [1, 0], sizes = [1, 256], strides = [1, 1]} : vector<32x256xf32> to vector<1x256xf32>
    %broadcast_in_dim3A_147 = vector.shape_cast %slice3A_146 : vector<1x256xf32> to vector<1x256xf32>
    %broadcast_in_dim3A_148 = vector.broadcast %broadcast_in_dim3A_147 : vector<1x256xf32> to vector<256x256xf32>
    %select_n3A_149 = arith.select %ge3A_141, %broadcast_in_dim3A_148, %broadcast_in_dim3A_136 : vector<256x256xi1>, vector<256x256xf32>
    %slice3A_150 = vector.extract_strided_slice %select_n3A_130 {offsets = [1, 0], sizes = [1, 256], strides = [1, 1]} : vector<32x256xf32> to vector<1x256xf32>
    %broadcast_in_dim3A_151 = vector.shape_cast %slice3A_150 : vector<1x256xf32> to vector<1x256xf32>
    %broadcast_in_dim3A_152 = vector.broadcast %broadcast_in_dim3A_151 : vector<1x256xf32> to vector<256x256xf32>
    %select_n3A_153 = arith.select %ge3A_141, %broadcast_in_dim3A_152, %broadcast_in_dim3A_139 : vector<256x256xi1>, vector<256x256xf32>
    %slice3A_154 = vector.extract_strided_slice %mul3A_100 {offsets = [2, 0], sizes = [1, 256], strides = [1, 1]} : vector<32x256xf32> to vector<1x256xf32>
    %ge3A_155 = vector.broadcast %slice3A_154 : vector<1x256xf32> to vector<256x256xf32>
    %ge3A_156 = arith.cmpf oge, %get3A_13, %ge3A_155 : vector<256x256xf32>
    %slice3A_157 = vector.extract_strided_slice %mul3A_100 {offsets = [2, 0], sizes = [1, 256], strides = [1, 1]} : vector<32x256xf32> to vector<1x256xf32>
    %broadcast_in_dim3A_158 = vector.shape_cast %slice3A_157 : vector<1x256xf32> to vector<1x256xf32>
    %broadcast_in_dim3A_159 = vector.broadcast %broadcast_in_dim3A_158 : vector<1x256xf32> to vector<256x256xf32>
    %select_n3A_160 = arith.select %ge3A_156, %broadcast_in_dim3A_159, %select_n3A_145 : vector<256x256xi1>, vector<256x256xf32>
    %slice3A_161 = vector.extract_strided_slice %add3A_110 {offsets = [2, 0], sizes = [1, 256], strides = [1, 1]} : vector<32x256xf32> to vector<1x256xf32>
    %broadcast_in_dim3A_162 = vector.shape_cast %slice3A_161 : vector<1x256xf32> to vector<1x256xf32>
    %broadcast_in_dim3A_163 = vector.broadcast %broadcast_in_dim3A_162 : vector<1x256xf32> to vector<256x256xf32>
    %select_n3A_164 = arith.select %ge3A_156, %broadcast_in_dim3A_163, %select_n3A_149 : vector<256x256xi1>, vector<256x256xf32>
    %slice3A_165 = vector.extract_strided_slice %select_n3A_130 {offsets = [2, 0], sizes = [1, 256], strides = [1, 1]} : vector<32x256xf32> to vector<1x256xf32>
    %broadcast_in_dim3A_166 = vector.shape_cast %slice3A_165 : vector<1x256xf32> to vector<1x256xf32>
    %broadcast_in_dim3A_167 = vector.broadcast %broadcast_in_dim3A_166 : vector<1x256xf32> to vector<256x256xf32>
    %select_n3A_168 = arith.select %ge3A_156, %broadcast_in_dim3A_167, %select_n3A_153 : vector<256x256xi1>, vector<256x256xf32>
    %slice3A_169 = vector.extract_strided_slice %mul3A_100 {offsets = [3, 0], sizes = [1, 256], strides = [1, 1]} : vector<32x256xf32> to vector<1x256xf32>
    %ge3A_170 = vector.broadcast %slice3A_169 : vector<1x256xf32> to vector<256x256xf32>
    %ge3A_171 = arith.cmpf oge, %get3A_13, %ge3A_170 : vector<256x256xf32>
    %slice3A_172 = vector.extract_strided_slice %mul3A_100 {offsets = [3, 0], sizes = [1, 256], strides = [1, 1]} : vector<32x256xf32> to vector<1x256xf32>
    %broadcast_in_dim3A_173 = vector.shape_cast %slice3A_172 : vector<1x256xf32> to vector<1x256xf32>
    %broadcast_in_dim3A_174 = vector.broadcast %broadcast_in_dim3A_173 : vector<1x256xf32> to vector<256x256xf32>
    %select_n3A_175 = arith.select %ge3A_171, %broadcast_in_dim3A_174, %select_n3A_160 : vector<256x256xi1>, vector<256x256xf32>
    %slice3A_176 = vector.extract_strided_slice %add3A_110 {offsets = [3, 0], sizes = [1, 256], strides = [1, 1]} : vector<32x256xf32> to vector<1x256xf32>
    %broadcast_in_dim3A_177 = vector.shape_cast %slice3A_176 : vector<1x256xf32> to vector<1x256xf32>
    %broadcast_in_dim3A_178 = vector.broadcast %broadcast_in_dim3A_177 : vector<1x256xf32> to vector<256x256xf32>
    %select_n3A_179 = arith.select %ge3A_171, %broadcast_in_dim3A_178, %select_n3A_164 : vector<256x256xi1>, vector<256x256xf32>
    %slice3A_180 = vector.extract_strided_slice %select_n3A_130 {offsets = [3, 0], sizes = [1, 256], strides = [1, 1]} : vector<32x256xf32> to vector<1x256xf32>
    %broadcast_in_dim3A_181 = vector.shape_cast %slice3A_180 : vector<1x256xf32> to vector<1x256xf32>
    %broadcast_in_dim3A_182 = vector.broadcast %broadcast_in_dim3A_181 : vector<1x256xf32> to vector<256x256xf32>
    %select_n3A_183 = arith.select %ge3A_171, %broadcast_in_dim3A_182, %select_n3A_168 : vector<256x256xi1>, vector<256x256xf32>
    %slice3A_184 = vector.extract_strided_slice %mul3A_100 {offsets = [4, 0], sizes = [1, 256], strides = [1, 1]} : vector<32x256xf32> to vector<1x256xf32>
    %ge3A_185 = vector.broadcast %slice3A_184 : vector<1x256xf32> to vector<256x256xf32>
    %ge3A_186 = arith.cmpf oge, %get3A_13, %ge3A_185 : vector<256x256xf32>
    %slice3A_187 = vector.extract_strided_slice %mul3A_100 {offsets = [4, 0], sizes = [1, 256], strides = [1, 1]} : vector<32x256xf32> to vector<1x256xf32>
    %broadcast_in_dim3A_188 = vector.shape_cast %slice3A_187 : vector<1x256xf32> to vector<1x256xf32>
    %broadcast_in_dim3A_189 = vector.broadcast %broadcast_in_dim3A_188 : vector<1x256xf32> to vector<256x256xf32>
    %select_n3A_190 = arith.select %ge3A_186, %broadcast_in_dim3A_189, %select_n3A_175 : vector<256x256xi1>, vector<256x256xf32>
    %slice3A_191 = vector.extract_strided_slice %add3A_110 {offsets = [4, 0], sizes = [1, 256], strides = [1, 1]} : vector<32x256xf32> to vector<1x256xf32>
    %broadcast_in_dim3A_192 = vector.shape_cast %slice3A_191 : vector<1x256xf32> to vector<1x256xf32>
    %broadcast_in_dim3A_193 = vector.broadcast %broadcast_in_dim3A_192 : vector<1x256xf32> to vector<256x256xf32>
    %select_n3A_194 = arith.select %ge3A_186, %broadcast_in_dim3A_193, %select_n3A_179 : vector<256x256xi1>, vector<256x256xf32>
    %slice3A_195 = vector.extract_strided_slice %select_n3A_130 {offsets = [4, 0], sizes = [1, 256], strides = [1, 1]} : vector<32x256xf32> to vector<1x256xf32>
    %broadcast_in_dim3A_196 = vector.shape_cast %slice3A_195 : vector<1x256xf32> to vector<1x256xf32>
    %broadcast_in_dim3A_197 = vector.broadcast %broadcast_in_dim3A_196 : vector<1x256xf32> to vector<256x256xf32>
    %select_n3A_198 = arith.select %ge3A_186, %broadcast_in_dim3A_197, %select_n3A_183 : vector<256x256xi1>, vector<256x256xf32>
    %slice3A_199 = vector.extract_strided_slice %mul3A_100 {offsets = [5, 0], sizes = [1, 256], strides = [1, 1]} : vector<32x256xf32> to vector<1x256xf32>
    %ge3A_200 = vector.broadcast %slice3A_199 : vector<1x256xf32> to vector<256x256xf32>
    %ge3A_201 = arith.cmpf oge, %get3A_13, %ge3A_200 : vector<256x256xf32>
    %slice3A_202 = vector.extract_strided_slice %mul3A_100 {offsets = [5, 0], sizes = [1, 256], strides = [1, 1]} : vector<32x256xf32> to vector<1x256xf32>
    %broadcast_in_dim3A_203 = vector.shape_cast %slice3A_202 : vector<1x256xf32> to vector<1x256xf32>
    %broadcast_in_dim3A_204 = vector.broadcast %broadcast_in_dim3A_203 : vector<1x256xf32> to vector<256x256xf32>
    %select_n3A_205 = arith.select %ge3A_201, %broadcast_in_dim3A_204, %select_n3A_190 : vector<256x256xi1>, vector<256x256xf32>
    %slice3A_206 = vector.extract_strided_slice %add3A_110 {offsets = [5, 0], sizes = [1, 256], strides = [1, 1]} : vector<32x256xf32> to vector<1x256xf32>
    %broadcast_in_dim3A_207 = vector.shape_cast %slice3A_206 : vector<1x256xf32> to vector<1x256xf32>
    %broadcast_in_dim3A_208 = vector.broadcast %broadcast_in_dim3A_207 : vector<1x256xf32> to vector<256x256xf32>
    %select_n3A_209 = arith.select %ge3A_201, %broadcast_in_dim3A_208, %select_n3A_194 : vector<256x256xi1>, vector<256x256xf32>
    %slice3A_210 = vector.extract_strided_slice %select_n3A_130 {offsets = [5, 0], sizes = [1, 256], strides = [1, 1]} : vector<32x256xf32> to vector<1x256xf32>
    %broadcast_in_dim3A_211 = vector.shape_cast %slice3A_210 : vector<1x256xf32> to vector<1x256xf32>
    %broadcast_in_dim3A_212 = vector.broadcast %broadcast_in_dim3A_211 : vector<1x256xf32> to vector<256x256xf32>
    %select_n3A_213 = arith.select %ge3A_201, %broadcast_in_dim3A_212, %select_n3A_198 : vector<256x256xi1>, vector<256x256xf32>
    %slice3A_214 = vector.extract_strided_slice %mul3A_100 {offsets = [6, 0], sizes = [1, 256], strides = [1, 1]} : vector<32x256xf32> to vector<1x256xf32>
    %ge3A_215 = vector.broadcast %slice3A_214 : vector<1x256xf32> to vector<256x256xf32>
    %ge3A_216 = arith.cmpf oge, %get3A_13, %ge3A_215 : vector<256x256xf32>
    %slice3A_217 = vector.extract_strided_slice %mul3A_100 {offsets = [6, 0], sizes = [1, 256], strides = [1, 1]} : vector<32x256xf32> to vector<1x256xf32>
    %broadcast_in_dim3A_218 = vector.shape_cast %slice3A_217 : vector<1x256xf32> to vector<1x256xf32>
    %broadcast_in_dim3A_219 = vector.broadcast %broadcast_in_dim3A_218 : vector<1x256xf32> to vector<256x256xf32>
    %select_n3A_220 = arith.select %ge3A_216, %broadcast_in_dim3A_219, %select_n3A_205 : vector<256x256xi1>, vector<256x256xf32>
    %slice3A_221 = vector.extract_strided_slice %add3A_110 {offsets = [6, 0], sizes = [1, 256], strides = [1, 1]} : vector<32x256xf32> to vector<1x256xf32>
    %broadcast_in_dim3A_222 = vector.shape_cast %slice3A_221 : vector<1x256xf32> to vector<1x256xf32>
    %broadcast_in_dim3A_223 = vector.broadcast %broadcast_in_dim3A_222 : vector<1x256xf32> to vector<256x256xf32>
    %select_n3A_224 = arith.select %ge3A_216, %broadcast_in_dim3A_223, %select_n3A_209 : vector<256x256xi1>, vector<256x256xf32>
    %slice3A_225 = vector.extract_strided_slice %select_n3A_130 {offsets = [6, 0], sizes = [1, 256], strides = [1, 1]} : vector<32x256xf32> to vector<1x256xf32>
    %broadcast_in_dim3A_226 = vector.shape_cast %slice3A_225 : vector<1x256xf32> to vector<1x256xf32>
    %broadcast_in_dim3A_227 = vector.broadcast %broadcast_in_dim3A_226 : vector<1x256xf32> to vector<256x256xf32>
    %select_n3A_228 = arith.select %ge3A_216, %broadcast_in_dim3A_227, %select_n3A_213 : vector<256x256xi1>, vector<256x256xf32>
    %slice3A_229 = vector.extract_strided_slice %mul3A_100 {offsets = [7, 0], sizes = [1, 256], strides = [1, 1]} : vector<32x256xf32> to vector<1x256xf32>
    %ge3A_230 = vector.broadcast %slice3A_229 : vector<1x256xf32> to vector<256x256xf32>
    %ge3A_231 = arith.cmpf oge, %get3A_13, %ge3A_230 : vector<256x256xf32>
    %slice3A_232 = vector.extract_strided_slice %mul3A_100 {offsets = [7, 0], sizes = [1, 256], strides = [1, 1]} : vector<32x256xf32> to vector<1x256xf32>
    %broadcast_in_dim3A_233 = vector.shape_cast %slice3A_232 : vector<1x256xf32> to vector<1x256xf32>
    %broadcast_in_dim3A_234 = vector.broadcast %broadcast_in_dim3A_233 : vector<1x256xf32> to vector<256x256xf32>
    %select_n3A_235 = arith.select %ge3A_231, %broadcast_in_dim3A_234, %select_n3A_220 : vector<256x256xi1>, vector<256x256xf32>
    %slice3A_236 = vector.extract_strided_slice %add3A_110 {offsets = [7, 0], sizes = [1, 256], strides = [1, 1]} : vector<32x256xf32> to vector<1x256xf32>
    %broadcast_in_dim3A_237 = vector.shape_cast %slice3A_236 : vector<1x256xf32> to vector<1x256xf32>
    %broadcast_in_dim3A_238 = vector.broadcast %broadcast_in_dim3A_237 : vector<1x256xf32> to vector<256x256xf32>
    %select_n3A_239 = arith.select %ge3A_231, %broadcast_in_dim3A_238, %select_n3A_224 : vector<256x256xi1>, vector<256x256xf32>
    %slice3A_240 = vector.extract_strided_slice %select_n3A_130 {offsets = [7, 0], sizes = [1, 256], strides = [1, 1]} : vector<32x256xf32> to vector<1x256xf32>
    %broadcast_in_dim3A_241 = vector.shape_cast %slice3A_240 : vector<1x256xf32> to vector<1x256xf32>
    %broadcast_in_dim3A_242 = vector.broadcast %broadcast_in_dim3A_241 : vector<1x256xf32> to vector<256x256xf32>
    %select_n3A_243 = arith.select %ge3A_231, %broadcast_in_dim3A_242, %select_n3A_228 : vector<256x256xi1>, vector<256x256xf32>
    %slice3A_244 = vector.extract_strided_slice %mul3A_100 {offsets = [8, 0], sizes = [1, 256], strides = [1, 1]} : vector<32x256xf32> to vector<1x256xf32>
    %ge3A_245 = vector.broadcast %slice3A_244 : vector<1x256xf32> to vector<256x256xf32>
    %ge3A_246 = arith.cmpf oge, %get3A_13, %ge3A_245 : vector<256x256xf32>
    %slice3A_247 = vector.extract_strided_slice %mul3A_100 {offsets = [8, 0], sizes = [1, 256], strides = [1, 1]} : vector<32x256xf32> to vector<1x256xf32>
    %broadcast_in_dim3A_248 = vector.shape_cast %slice3A_247 : vector<1x256xf32> to vector<1x256xf32>
    %broadcast_in_dim3A_249 = vector.broadcast %broadcast_in_dim3A_248 : vector<1x256xf32> to vector<256x256xf32>
    %select_n3A_250 = arith.select %ge3A_246, %broadcast_in_dim3A_249, %select_n3A_235 : vector<256x256xi1>, vector<256x256xf32>
    %slice3A_251 = vector.extract_strided_slice %add3A_110 {offsets = [8, 0], sizes = [1, 256], strides = [1, 1]} : vector<32x256xf32> to vector<1x256xf32>
    %broadcast_in_dim3A_252 = vector.shape_cast %slice3A_251 : vector<1x256xf32> to vector<1x256xf32>
    %broadcast_in_dim3A_253 = vector.broadcast %broadcast_in_dim3A_252 : vector<1x256xf32> to vector<256x256xf32>
    %select_n3A_254 = arith.select %ge3A_246, %broadcast_in_dim3A_253, %select_n3A_239 : vector<256x256xi1>, vector<256x256xf32>
    %slice3A_255 = vector.extract_strided_slice %select_n3A_130 {offsets = [8, 0], sizes = [1, 256], strides = [1, 1]} : vector<32x256xf32> to vector<1x256xf32>
    %broadcast_in_dim3A_256 = vector.shape_cast %slice3A_255 : vector<1x256xf32> to vector<1x256xf32>
    %broadcast_in_dim3A_257 = vector.broadcast %broadcast_in_dim3A_256 : vector<1x256xf32> to vector<256x256xf32>
    %select_n3A_258 = arith.select %ge3A_246, %broadcast_in_dim3A_257, %select_n3A_243 : vector<256x256xi1>, vector<256x256xf32>
    %slice3A_259 = vector.extract_strided_slice %mul3A_100 {offsets = [9, 0], sizes = [1, 256], strides = [1, 1]} : vector<32x256xf32> to vector<1x256xf32>
    %ge3A_260 = vector.broadcast %slice3A_259 : vector<1x256xf32> to vector<256x256xf32>
    %ge3A_261 = arith.cmpf oge, %get3A_13, %ge3A_260 : vector<256x256xf32>
    %slice3A_262 = vector.extract_strided_slice %mul3A_100 {offsets = [9, 0], sizes = [1, 256], strides = [1, 1]} : vector<32x256xf32> to vector<1x256xf32>
    %broadcast_in_dim3A_263 = vector.shape_cast %slice3A_262 : vector<1x256xf32> to vector<1x256xf32>
    %broadcast_in_dim3A_264 = vector.broadcast %broadcast_in_dim3A_263 : vector<1x256xf32> to vector<256x256xf32>
    %select_n3A_265 = arith.select %ge3A_261, %broadcast_in_dim3A_264, %select_n3A_250 : vector<256x256xi1>, vector<256x256xf32>
    %slice3A_266 = vector.extract_strided_slice %add3A_110 {offsets = [9, 0], sizes = [1, 256], strides = [1, 1]} : vector<32x256xf32> to vector<1x256xf32>
    %broadcast_in_dim3A_267 = vector.shape_cast %slice3A_266 : vector<1x256xf32> to vector<1x256xf32>
    %broadcast_in_dim3A_268 = vector.broadcast %broadcast_in_dim3A_267 : vector<1x256xf32> to vector<256x256xf32>
    %select_n3A_269 = arith.select %ge3A_261, %broadcast_in_dim3A_268, %select_n3A_254 : vector<256x256xi1>, vector<256x256xf32>
    %slice3A_270 = vector.extract_strided_slice %select_n3A_130 {offsets = [9, 0], sizes = [1, 256], strides = [1, 1]} : vector<32x256xf32> to vector<1x256xf32>
    %broadcast_in_dim3A_271 = vector.shape_cast %slice3A_270 : vector<1x256xf32> to vector<1x256xf32>
    %broadcast_in_dim3A_272 = vector.broadcast %broadcast_in_dim3A_271 : vector<1x256xf32> to vector<256x256xf32>
    %select_n3A_273 = arith.select %ge3A_261, %broadcast_in_dim3A_272, %select_n3A_258 : vector<256x256xi1>, vector<256x256xf32>
    %slice3A_274 = vector.extract_strided_slice %mul3A_100 {offsets = [10, 0], sizes = [1, 256], strides = [1, 1]} : vector<32x256xf32> to vector<1x256xf32>
    %ge3A_275 = vector.broadcast %slice3A_274 : vector<1x256xf32> to vector<256x256xf32>
    %ge3A_276 = arith.cmpf oge, %get3A_13, %ge3A_275 : vector<256x256xf32>
    %slice3A_277 = vector.extract_strided_slice %mul3A_100 {offsets = [10, 0], sizes = [1, 256], strides = [1, 1]} : vector<32x256xf32> to vector<1x256xf32>
    %broadcast_in_dim3A_278 = vector.shape_cast %slice3A_277 : vector<1x256xf32> to vector<1x256xf32>
    %broadcast_in_dim3A_279 = vector.broadcast %broadcast_in_dim3A_278 : vector<1x256xf32> to vector<256x256xf32>
    %select_n3A_280 = arith.select %ge3A_276, %broadcast_in_dim3A_279, %select_n3A_265 : vector<256x256xi1>, vector<256x256xf32>
    %slice3A_281 = vector.extract_strided_slice %add3A_110 {offsets = [10, 0], sizes = [1, 256], strides = [1, 1]} : vector<32x256xf32> to vector<1x256xf32>
    %broadcast_in_dim3A_282 = vector.shape_cast %slice3A_281 : vector<1x256xf32> to vector<1x256xf32>
    %broadcast_in_dim3A_283 = vector.broadcast %broadcast_in_dim3A_282 : vector<1x256xf32> to vector<256x256xf32>
    %select_n3A_284 = arith.select %ge3A_276, %broadcast_in_dim3A_283, %select_n3A_269 : vector<256x256xi1>, vector<256x256xf32>
    %slice3A_285 = vector.extract_strided_slice %select_n3A_130 {offsets = [10, 0], sizes = [1, 256], strides = [1, 1]} : vector<32x256xf32> to vector<1x256xf32>
    %broadcast_in_dim3A_286 = vector.shape_cast %slice3A_285 : vector<1x256xf32> to vector<1x256xf32>
    %broadcast_in_dim3A_287 = vector.broadcast %broadcast_in_dim3A_286 : vector<1x256xf32> to vector<256x256xf32>
    %select_n3A_288 = arith.select %ge3A_276, %broadcast_in_dim3A_287, %select_n3A_273 : vector<256x256xi1>, vector<256x256xf32>
    %slice3A_289 = vector.extract_strided_slice %mul3A_100 {offsets = [11, 0], sizes = [1, 256], strides = [1, 1]} : vector<32x256xf32> to vector<1x256xf32>
    %ge3A_290 = vector.broadcast %slice3A_289 : vector<1x256xf32> to vector<256x256xf32>
    %ge3A_291 = arith.cmpf oge, %get3A_13, %ge3A_290 : vector<256x256xf32>
    %slice3A_292 = vector.extract_strided_slice %mul3A_100 {offsets = [11, 0], sizes = [1, 256], strides = [1, 1]} : vector<32x256xf32> to vector<1x256xf32>
    %broadcast_in_dim3A_293 = vector.shape_cast %slice3A_292 : vector<1x256xf32> to vector<1x256xf32>
    %broadcast_in_dim3A_294 = vector.broadcast %broadcast_in_dim3A_293 : vector<1x256xf32> to vector<256x256xf32>
    %select_n3A_295 = arith.select %ge3A_291, %broadcast_in_dim3A_294, %select_n3A_280 : vector<256x256xi1>, vector<256x256xf32>
    %slice3A_296 = vector.extract_strided_slice %add3A_110 {offsets = [11, 0], sizes = [1, 256], strides = [1, 1]} : vector<32x256xf32> to vector<1x256xf32>
    %broadcast_in_dim3A_297 = vector.shape_cast %slice3A_296 : vector<1x256xf32> to vector<1x256xf32>
    %broadcast_in_dim3A_298 = vector.broadcast %broadcast_in_dim3A_297 : vector<1x256xf32> to vector<256x256xf32>
    %select_n3A_299 = arith.select %ge3A_291, %broadcast_in_dim3A_298, %select_n3A_284 : vector<256x256xi1>, vector<256x256xf32>
    %slice3A_300 = vector.extract_strided_slice %select_n3A_130 {offsets = [11, 0], sizes = [1, 256], strides = [1, 1]} : vector<32x256xf32> to vector<1x256xf32>
    %broadcast_in_dim3A_301 = vector.shape_cast %slice3A_300 : vector<1x256xf32> to vector<1x256xf32>
    %broadcast_in_dim3A_302 = vector.broadcast %broadcast_in_dim3A_301 : vector<1x256xf32> to vector<256x256xf32>
    %select_n3A_303 = arith.select %ge3A_291, %broadcast_in_dim3A_302, %select_n3A_288 : vector<256x256xi1>, vector<256x256xf32>
    %slice3A_304 = vector.extract_strided_slice %mul3A_100 {offsets = [12, 0], sizes = [1, 256], strides = [1, 1]} : vector<32x256xf32> to vector<1x256xf32>
    %ge3A_305 = vector.broadcast %slice3A_304 : vector<1x256xf32> to vector<256x256xf32>
    %ge3A_306 = arith.cmpf oge, %get3A_13, %ge3A_305 : vector<256x256xf32>
    %slice3A_307 = vector.extract_strided_slice %mul3A_100 {offsets = [12, 0], sizes = [1, 256], strides = [1, 1]} : vector<32x256xf32> to vector<1x256xf32>
    %broadcast_in_dim3A_308 = vector.shape_cast %slice3A_307 : vector<1x256xf32> to vector<1x256xf32>
    %broadcast_in_dim3A_309 = vector.broadcast %broadcast_in_dim3A_308 : vector<1x256xf32> to vector<256x256xf32>
    %select_n3A_310 = arith.select %ge3A_306, %broadcast_in_dim3A_309, %select_n3A_295 : vector<256x256xi1>, vector<256x256xf32>
    %slice3A_311 = vector.extract_strided_slice %add3A_110 {offsets = [12, 0], sizes = [1, 256], strides = [1, 1]} : vector<32x256xf32> to vector<1x256xf32>
    %broadcast_in_dim3A_312 = vector.shape_cast %slice3A_311 : vector<1x256xf32> to vector<1x256xf32>
    %broadcast_in_dim3A_313 = vector.broadcast %broadcast_in_dim3A_312 : vector<1x256xf32> to vector<256x256xf32>
    %select_n3A_314 = arith.select %ge3A_306, %broadcast_in_dim3A_313, %select_n3A_299 : vector<256x256xi1>, vector<256x256xf32>
    %slice3A_315 = vector.extract_strided_slice %select_n3A_130 {offsets = [12, 0], sizes = [1, 256], strides = [1, 1]} : vector<32x256xf32> to vector<1x256xf32>
    %broadcast_in_dim3A_316 = vector.shape_cast %slice3A_315 : vector<1x256xf32> to vector<1x256xf32>
    %broadcast_in_dim3A_317 = vector.broadcast %broadcast_in_dim3A_316 : vector<1x256xf32> to vector<256x256xf32>
    %select_n3A_318 = arith.select %ge3A_306, %broadcast_in_dim3A_317, %select_n3A_303 : vector<256x256xi1>, vector<256x256xf32>
    %slice3A_319 = vector.extract_strided_slice %mul3A_100 {offsets = [13, 0], sizes = [1, 256], strides = [1, 1]} : vector<32x256xf32> to vector<1x256xf32>
    %ge3A_320 = vector.broadcast %slice3A_319 : vector<1x256xf32> to vector<256x256xf32>
    %ge3A_321 = arith.cmpf oge, %get3A_13, %ge3A_320 : vector<256x256xf32>
    %slice3A_322 = vector.extract_strided_slice %mul3A_100 {offsets = [13, 0], sizes = [1, 256], strides = [1, 1]} : vector<32x256xf32> to vector<1x256xf32>
    %broadcast_in_dim3A_323 = vector.shape_cast %slice3A_322 : vector<1x256xf32> to vector<1x256xf32>
    %broadcast_in_dim3A_324 = vector.broadcast %broadcast_in_dim3A_323 : vector<1x256xf32> to vector<256x256xf32>
    %select_n3A_325 = arith.select %ge3A_321, %broadcast_in_dim3A_324, %select_n3A_310 : vector<256x256xi1>, vector<256x256xf32>
    %slice3A_326 = vector.extract_strided_slice %add3A_110 {offsets = [13, 0], sizes = [1, 256], strides = [1, 1]} : vector<32x256xf32> to vector<1x256xf32>
    %broadcast_in_dim3A_327 = vector.shape_cast %slice3A_326 : vector<1x256xf32> to vector<1x256xf32>
    %broadcast_in_dim3A_328 = vector.broadcast %broadcast_in_dim3A_327 : vector<1x256xf32> to vector<256x256xf32>
    %select_n3A_329 = arith.select %ge3A_321, %broadcast_in_dim3A_328, %select_n3A_314 : vector<256x256xi1>, vector<256x256xf32>
    %slice3A_330 = vector.extract_strided_slice %select_n3A_130 {offsets = [13, 0], sizes = [1, 256], strides = [1, 1]} : vector<32x256xf32> to vector<1x256xf32>
    %broadcast_in_dim3A_331 = vector.shape_cast %slice3A_330 : vector<1x256xf32> to vector<1x256xf32>
    %broadcast_in_dim3A_332 = vector.broadcast %broadcast_in_dim3A_331 : vector<1x256xf32> to vector<256x256xf32>
    %select_n3A_333 = arith.select %ge3A_321, %broadcast_in_dim3A_332, %select_n3A_318 : vector<256x256xi1>, vector<256x256xf32>
    %slice3A_334 = vector.extract_strided_slice %mul3A_100 {offsets = [14, 0], sizes = [1, 256], strides = [1, 1]} : vector<32x256xf32> to vector<1x256xf32>
    %ge3A_335 = vector.broadcast %slice3A_334 : vector<1x256xf32> to vector<256x256xf32>
    %ge3A_336 = arith.cmpf oge, %get3A_13, %ge3A_335 : vector<256x256xf32>
    %slice3A_337 = vector.extract_strided_slice %mul3A_100 {offsets = [14, 0], sizes = [1, 256], strides = [1, 1]} : vector<32x256xf32> to vector<1x256xf32>
    %broadcast_in_dim3A_338 = vector.shape_cast %slice3A_337 : vector<1x256xf32> to vector<1x256xf32>
    %broadcast_in_dim3A_339 = vector.broadcast %broadcast_in_dim3A_338 : vector<1x256xf32> to vector<256x256xf32>
    %select_n3A_340 = arith.select %ge3A_336, %broadcast_in_dim3A_339, %select_n3A_325 : vector<256x256xi1>, vector<256x256xf32>
    %slice3A_341 = vector.extract_strided_slice %add3A_110 {offsets = [14, 0], sizes = [1, 256], strides = [1, 1]} : vector<32x256xf32> to vector<1x256xf32>
    %broadcast_in_dim3A_342 = vector.shape_cast %slice3A_341 : vector<1x256xf32> to vector<1x256xf32>
    %broadcast_in_dim3A_343 = vector.broadcast %broadcast_in_dim3A_342 : vector<1x256xf32> to vector<256x256xf32>
    %select_n3A_344 = arith.select %ge3A_336, %broadcast_in_dim3A_343, %select_n3A_329 : vector<256x256xi1>, vector<256x256xf32>
    %slice3A_345 = vector.extract_strided_slice %select_n3A_130 {offsets = [14, 0], sizes = [1, 256], strides = [1, 1]} : vector<32x256xf32> to vector<1x256xf32>
    %broadcast_in_dim3A_346 = vector.shape_cast %slice3A_345 : vector<1x256xf32> to vector<1x256xf32>
    %broadcast_in_dim3A_347 = vector.broadcast %broadcast_in_dim3A_346 : vector<1x256xf32> to vector<256x256xf32>
    %select_n3A_348 = arith.select %ge3A_336, %broadcast_in_dim3A_347, %select_n3A_333 : vector<256x256xi1>, vector<256x256xf32>
    %slice3A_349 = vector.extract_strided_slice %mul3A_100 {offsets = [15, 0], sizes = [1, 256], strides = [1, 1]} : vector<32x256xf32> to vector<1x256xf32>
    %ge3A_350 = vector.broadcast %slice3A_349 : vector<1x256xf32> to vector<256x256xf32>
    %ge3A_351 = arith.cmpf oge, %get3A_13, %ge3A_350 : vector<256x256xf32>
    %slice3A_352 = vector.extract_strided_slice %mul3A_100 {offsets = [15, 0], sizes = [1, 256], strides = [1, 1]} : vector<32x256xf32> to vector<1x256xf32>
    %broadcast_in_dim3A_353 = vector.shape_cast %slice3A_352 : vector<1x256xf32> to vector<1x256xf32>
    %broadcast_in_dim3A_354 = vector.broadcast %broadcast_in_dim3A_353 : vector<1x256xf32> to vector<256x256xf32>
    %select_n3A_355 = arith.select %ge3A_351, %broadcast_in_dim3A_354, %select_n3A_340 : vector<256x256xi1>, vector<256x256xf32>
    %slice3A_356 = vector.extract_strided_slice %add3A_110 {offsets = [15, 0], sizes = [1, 256], strides = [1, 1]} : vector<32x256xf32> to vector<1x256xf32>
    %broadcast_in_dim3A_357 = vector.shape_cast %slice3A_356 : vector<1x256xf32> to vector<1x256xf32>
    %broadcast_in_dim3A_358 = vector.broadcast %broadcast_in_dim3A_357 : vector<1x256xf32> to vector<256x256xf32>
    %select_n3A_359 = arith.select %ge3A_351, %broadcast_in_dim3A_358, %select_n3A_344 : vector<256x256xi1>, vector<256x256xf32>
    %slice3A_360 = vector.extract_strided_slice %select_n3A_130 {offsets = [15, 0], sizes = [1, 256], strides = [1, 1]} : vector<32x256xf32> to vector<1x256xf32>
    %broadcast_in_dim3A_361 = vector.shape_cast %slice3A_360 : vector<1x256xf32> to vector<1x256xf32>
    %broadcast_in_dim3A_362 = vector.broadcast %broadcast_in_dim3A_361 : vector<1x256xf32> to vector<256x256xf32>
    %select_n3A_363 = arith.select %ge3A_351, %broadcast_in_dim3A_362, %select_n3A_348 : vector<256x256xi1>, vector<256x256xf32>
    %slice3A_364 = vector.extract_strided_slice %mul3A_100 {offsets = [16, 0], sizes = [1, 256], strides = [1, 1]} : vector<32x256xf32> to vector<1x256xf32>
    %ge3A_365 = vector.broadcast %slice3A_364 : vector<1x256xf32> to vector<256x256xf32>
    %ge3A_366 = arith.cmpf oge, %get3A_13, %ge3A_365 : vector<256x256xf32>
    %slice3A_367 = vector.extract_strided_slice %mul3A_100 {offsets = [16, 0], sizes = [1, 256], strides = [1, 1]} : vector<32x256xf32> to vector<1x256xf32>
    %broadcast_in_dim3A_368 = vector.shape_cast %slice3A_367 : vector<1x256xf32> to vector<1x256xf32>
    %broadcast_in_dim3A_369 = vector.broadcast %broadcast_in_dim3A_368 : vector<1x256xf32> to vector<256x256xf32>
    %select_n3A_370 = arith.select %ge3A_366, %broadcast_in_dim3A_369, %select_n3A_355 : vector<256x256xi1>, vector<256x256xf32>
    %slice3A_371 = vector.extract_strided_slice %add3A_110 {offsets = [16, 0], sizes = [1, 256], strides = [1, 1]} : vector<32x256xf32> to vector<1x256xf32>
    %broadcast_in_dim3A_372 = vector.shape_cast %slice3A_371 : vector<1x256xf32> to vector<1x256xf32>
    %broadcast_in_dim3A_373 = vector.broadcast %broadcast_in_dim3A_372 : vector<1x256xf32> to vector<256x256xf32>
    %select_n3A_374 = arith.select %ge3A_366, %broadcast_in_dim3A_373, %select_n3A_359 : vector<256x256xi1>, vector<256x256xf32>
    %slice3A_375 = vector.extract_strided_slice %select_n3A_130 {offsets = [16, 0], sizes = [1, 256], strides = [1, 1]} : vector<32x256xf32> to vector<1x256xf32>
    %broadcast_in_dim3A_376 = vector.shape_cast %slice3A_375 : vector<1x256xf32> to vector<1x256xf32>
    %broadcast_in_dim3A_377 = vector.broadcast %broadcast_in_dim3A_376 : vector<1x256xf32> to vector<256x256xf32>
    %select_n3A_378 = arith.select %ge3A_366, %broadcast_in_dim3A_377, %select_n3A_363 : vector<256x256xi1>, vector<256x256xf32>
    %slice3A_379 = vector.extract_strided_slice %mul3A_100 {offsets = [17, 0], sizes = [1, 256], strides = [1, 1]} : vector<32x256xf32> to vector<1x256xf32>
    %ge3A_380 = vector.broadcast %slice3A_379 : vector<1x256xf32> to vector<256x256xf32>
    %ge3A_381 = arith.cmpf oge, %get3A_13, %ge3A_380 : vector<256x256xf32>
    %slice3A_382 = vector.extract_strided_slice %mul3A_100 {offsets = [17, 0], sizes = [1, 256], strides = [1, 1]} : vector<32x256xf32> to vector<1x256xf32>
    %broadcast_in_dim3A_383 = vector.shape_cast %slice3A_382 : vector<1x256xf32> to vector<1x256xf32>
    %broadcast_in_dim3A_384 = vector.broadcast %broadcast_in_dim3A_383 : vector<1x256xf32> to vector<256x256xf32>
    %select_n3A_385 = arith.select %ge3A_381, %broadcast_in_dim3A_384, %select_n3A_370 : vector<256x256xi1>, vector<256x256xf32>
    %slice3A_386 = vector.extract_strided_slice %add3A_110 {offsets = [17, 0], sizes = [1, 256], strides = [1, 1]} : vector<32x256xf32> to vector<1x256xf32>
    %broadcast_in_dim3A_387 = vector.shape_cast %slice3A_386 : vector<1x256xf32> to vector<1x256xf32>
    %broadcast_in_dim3A_388 = vector.broadcast %broadcast_in_dim3A_387 : vector<1x256xf32> to vector<256x256xf32>
    %select_n3A_389 = arith.select %ge3A_381, %broadcast_in_dim3A_388, %select_n3A_374 : vector<256x256xi1>, vector<256x256xf32>
    %slice3A_390 = vector.extract_strided_slice %select_n3A_130 {offsets = [17, 0], sizes = [1, 256], strides = [1, 1]} : vector<32x256xf32> to vector<1x256xf32>
    %broadcast_in_dim3A_391 = vector.shape_cast %slice3A_390 : vector<1x256xf32> to vector<1x256xf32>
    %broadcast_in_dim3A_392 = vector.broadcast %broadcast_in_dim3A_391 : vector<1x256xf32> to vector<256x256xf32>
    %select_n3A_393 = arith.select %ge3A_381, %broadcast_in_dim3A_392, %select_n3A_378 : vector<256x256xi1>, vector<256x256xf32>
    %slice3A_394 = vector.extract_strided_slice %mul3A_100 {offsets = [18, 0], sizes = [1, 256], strides = [1, 1]} : vector<32x256xf32> to vector<1x256xf32>
    %ge3A_395 = vector.broadcast %slice3A_394 : vector<1x256xf32> to vector<256x256xf32>
    %ge3A_396 = arith.cmpf oge, %get3A_13, %ge3A_395 : vector<256x256xf32>
    %slice3A_397 = vector.extract_strided_slice %mul3A_100 {offsets = [18, 0], sizes = [1, 256], strides = [1, 1]} : vector<32x256xf32> to vector<1x256xf32>
    %broadcast_in_dim3A_398 = vector.shape_cast %slice3A_397 : vector<1x256xf32> to vector<1x256xf32>
    %broadcast_in_dim3A_399 = vector.broadcast %broadcast_in_dim3A_398 : vector<1x256xf32> to vector<256x256xf32>
    %select_n3A_400 = arith.select %ge3A_396, %broadcast_in_dim3A_399, %select_n3A_385 : vector<256x256xi1>, vector<256x256xf32>
    %slice3A_401 = vector.extract_strided_slice %add3A_110 {offsets = [18, 0], sizes = [1, 256], strides = [1, 1]} : vector<32x256xf32> to vector<1x256xf32>
    %broadcast_in_dim3A_402 = vector.shape_cast %slice3A_401 : vector<1x256xf32> to vector<1x256xf32>
    %broadcast_in_dim3A_403 = vector.broadcast %broadcast_in_dim3A_402 : vector<1x256xf32> to vector<256x256xf32>
    %select_n3A_404 = arith.select %ge3A_396, %broadcast_in_dim3A_403, %select_n3A_389 : vector<256x256xi1>, vector<256x256xf32>
    %slice3A_405 = vector.extract_strided_slice %select_n3A_130 {offsets = [18, 0], sizes = [1, 256], strides = [1, 1]} : vector<32x256xf32> to vector<1x256xf32>
    %broadcast_in_dim3A_406 = vector.shape_cast %slice3A_405 : vector<1x256xf32> to vector<1x256xf32>
    %broadcast_in_dim3A_407 = vector.broadcast %broadcast_in_dim3A_406 : vector<1x256xf32> to vector<256x256xf32>
    %select_n3A_408 = arith.select %ge3A_396, %broadcast_in_dim3A_407, %select_n3A_393 : vector<256x256xi1>, vector<256x256xf32>
    %slice3A_409 = vector.extract_strided_slice %mul3A_100 {offsets = [19, 0], sizes = [1, 256], strides = [1, 1]} : vector<32x256xf32> to vector<1x256xf32>
    %ge3A_410 = vector.broadcast %slice3A_409 : vector<1x256xf32> to vector<256x256xf32>
    %ge3A_411 = arith.cmpf oge, %get3A_13, %ge3A_410 : vector<256x256xf32>
    %slice3A_412 = vector.extract_strided_slice %mul3A_100 {offsets = [19, 0], sizes = [1, 256], strides = [1, 1]} : vector<32x256xf32> to vector<1x256xf32>
    %broadcast_in_dim3A_413 = vector.shape_cast %slice3A_412 : vector<1x256xf32> to vector<1x256xf32>
    %broadcast_in_dim3A_414 = vector.broadcast %broadcast_in_dim3A_413 : vector<1x256xf32> to vector<256x256xf32>
    %select_n3A_415 = arith.select %ge3A_411, %broadcast_in_dim3A_414, %select_n3A_400 : vector<256x256xi1>, vector<256x256xf32>
    %slice3A_416 = vector.extract_strided_slice %add3A_110 {offsets = [19, 0], sizes = [1, 256], strides = [1, 1]} : vector<32x256xf32> to vector<1x256xf32>
    %broadcast_in_dim3A_417 = vector.shape_cast %slice3A_416 : vector<1x256xf32> to vector<1x256xf32>
    %broadcast_in_dim3A_418 = vector.broadcast %broadcast_in_dim3A_417 : vector<1x256xf32> to vector<256x256xf32>
    %select_n3A_419 = arith.select %ge3A_411, %broadcast_in_dim3A_418, %select_n3A_404 : vector<256x256xi1>, vector<256x256xf32>
    %slice3A_420 = vector.extract_strided_slice %select_n3A_130 {offsets = [19, 0], sizes = [1, 256], strides = [1, 1]} : vector<32x256xf32> to vector<1x256xf32>
    %broadcast_in_dim3A_421 = vector.shape_cast %slice3A_420 : vector<1x256xf32> to vector<1x256xf32>
    %broadcast_in_dim3A_422 = vector.broadcast %broadcast_in_dim3A_421 : vector<1x256xf32> to vector<256x256xf32>
    %select_n3A_423 = arith.select %ge3A_411, %broadcast_in_dim3A_422, %select_n3A_408 : vector<256x256xi1>, vector<256x256xf32>
    %slice3A_424 = vector.extract_strided_slice %mul3A_100 {offsets = [20, 0], sizes = [1, 256], strides = [1, 1]} : vector<32x256xf32> to vector<1x256xf32>
    %ge3A_425 = vector.broadcast %slice3A_424 : vector<1x256xf32> to vector<256x256xf32>
    %ge3A_426 = arith.cmpf oge, %get3A_13, %ge3A_425 : vector<256x256xf32>
    %slice3A_427 = vector.extract_strided_slice %mul3A_100 {offsets = [20, 0], sizes = [1, 256], strides = [1, 1]} : vector<32x256xf32> to vector<1x256xf32>
    %broadcast_in_dim3A_428 = vector.shape_cast %slice3A_427 : vector<1x256xf32> to vector<1x256xf32>
    %broadcast_in_dim3A_429 = vector.broadcast %broadcast_in_dim3A_428 : vector<1x256xf32> to vector<256x256xf32>
    %select_n3A_430 = arith.select %ge3A_426, %broadcast_in_dim3A_429, %select_n3A_415 : vector<256x256xi1>, vector<256x256xf32>
    %slice3A_431 = vector.extract_strided_slice %add3A_110 {offsets = [20, 0], sizes = [1, 256], strides = [1, 1]} : vector<32x256xf32> to vector<1x256xf32>
    %broadcast_in_dim3A_432 = vector.shape_cast %slice3A_431 : vector<1x256xf32> to vector<1x256xf32>
    %broadcast_in_dim3A_433 = vector.broadcast %broadcast_in_dim3A_432 : vector<1x256xf32> to vector<256x256xf32>
    %select_n3A_434 = arith.select %ge3A_426, %broadcast_in_dim3A_433, %select_n3A_419 : vector<256x256xi1>, vector<256x256xf32>
    %slice3A_435 = vector.extract_strided_slice %select_n3A_130 {offsets = [20, 0], sizes = [1, 256], strides = [1, 1]} : vector<32x256xf32> to vector<1x256xf32>
    %broadcast_in_dim3A_436 = vector.shape_cast %slice3A_435 : vector<1x256xf32> to vector<1x256xf32>
    %broadcast_in_dim3A_437 = vector.broadcast %broadcast_in_dim3A_436 : vector<1x256xf32> to vector<256x256xf32>
    %select_n3A_438 = arith.select %ge3A_426, %broadcast_in_dim3A_437, %select_n3A_423 : vector<256x256xi1>, vector<256x256xf32>
    %slice3A_439 = vector.extract_strided_slice %mul3A_100 {offsets = [21, 0], sizes = [1, 256], strides = [1, 1]} : vector<32x256xf32> to vector<1x256xf32>
    %ge3A_440 = vector.broadcast %slice3A_439 : vector<1x256xf32> to vector<256x256xf32>
    %ge3A_441 = arith.cmpf oge, %get3A_13, %ge3A_440 : vector<256x256xf32>
    %slice3A_442 = vector.extract_strided_slice %mul3A_100 {offsets = [21, 0], sizes = [1, 256], strides = [1, 1]} : vector<32x256xf32> to vector<1x256xf32>
    %broadcast_in_dim3A_443 = vector.shape_cast %slice3A_442 : vector<1x256xf32> to vector<1x256xf32>
    %broadcast_in_dim3A_444 = vector.broadcast %broadcast_in_dim3A_443 : vector<1x256xf32> to vector<256x256xf32>
    %select_n3A_445 = arith.select %ge3A_441, %broadcast_in_dim3A_444, %select_n3A_430 : vector<256x256xi1>, vector<256x256xf32>
    %slice3A_446 = vector.extract_strided_slice %add3A_110 {offsets = [21, 0], sizes = [1, 256], strides = [1, 1]} : vector<32x256xf32> to vector<1x256xf32>
    %broadcast_in_dim3A_447 = vector.shape_cast %slice3A_446 : vector<1x256xf32> to vector<1x256xf32>
    %broadcast_in_dim3A_448 = vector.broadcast %broadcast_in_dim3A_447 : vector<1x256xf32> to vector<256x256xf32>
    %select_n3A_449 = arith.select %ge3A_441, %broadcast_in_dim3A_448, %select_n3A_434 : vector<256x256xi1>, vector<256x256xf32>
    %slice3A_450 = vector.extract_strided_slice %select_n3A_130 {offsets = [21, 0], sizes = [1, 256], strides = [1, 1]} : vector<32x256xf32> to vector<1x256xf32>
    %broadcast_in_dim3A_451 = vector.shape_cast %slice3A_450 : vector<1x256xf32> to vector<1x256xf32>
    %broadcast_in_dim3A_452 = vector.broadcast %broadcast_in_dim3A_451 : vector<1x256xf32> to vector<256x256xf32>
    %select_n3A_453 = arith.select %ge3A_441, %broadcast_in_dim3A_452, %select_n3A_438 : vector<256x256xi1>, vector<256x256xf32>
    %slice3A_454 = vector.extract_strided_slice %mul3A_100 {offsets = [22, 0], sizes = [1, 256], strides = [1, 1]} : vector<32x256xf32> to vector<1x256xf32>
    %ge3A_455 = vector.broadcast %slice3A_454 : vector<1x256xf32> to vector<256x256xf32>
    %ge3A_456 = arith.cmpf oge, %get3A_13, %ge3A_455 : vector<256x256xf32>
    %slice3A_457 = vector.extract_strided_slice %mul3A_100 {offsets = [22, 0], sizes = [1, 256], strides = [1, 1]} : vector<32x256xf32> to vector<1x256xf32>
    %broadcast_in_dim3A_458 = vector.shape_cast %slice3A_457 : vector<1x256xf32> to vector<1x256xf32>
    %broadcast_in_dim3A_459 = vector.broadcast %broadcast_in_dim3A_458 : vector<1x256xf32> to vector<256x256xf32>
    %select_n3A_460 = arith.select %ge3A_456, %broadcast_in_dim3A_459, %select_n3A_445 : vector<256x256xi1>, vector<256x256xf32>
    %slice3A_461 = vector.extract_strided_slice %add3A_110 {offsets = [22, 0], sizes = [1, 256], strides = [1, 1]} : vector<32x256xf32> to vector<1x256xf32>
    %broadcast_in_dim3A_462 = vector.shape_cast %slice3A_461 : vector<1x256xf32> to vector<1x256xf32>
    %broadcast_in_dim3A_463 = vector.broadcast %broadcast_in_dim3A_462 : vector<1x256xf32> to vector<256x256xf32>
    %select_n3A_464 = arith.select %ge3A_456, %broadcast_in_dim3A_463, %select_n3A_449 : vector<256x256xi1>, vector<256x256xf32>
    %slice3A_465 = vector.extract_strided_slice %select_n3A_130 {offsets = [22, 0], sizes = [1, 256], strides = [1, 1]} : vector<32x256xf32> to vector<1x256xf32>
    %broadcast_in_dim3A_466 = vector.shape_cast %slice3A_465 : vector<1x256xf32> to vector<1x256xf32>
    %broadcast_in_dim3A_467 = vector.broadcast %broadcast_in_dim3A_466 : vector<1x256xf32> to vector<256x256xf32>
    %select_n3A_468 = arith.select %ge3A_456, %broadcast_in_dim3A_467, %select_n3A_453 : vector<256x256xi1>, vector<256x256xf32>
    %slice3A_469 = vector.extract_strided_slice %mul3A_100 {offsets = [23, 0], sizes = [1, 256], strides = [1, 1]} : vector<32x256xf32> to vector<1x256xf32>
    %ge3A_470 = vector.broadcast %slice3A_469 : vector<1x256xf32> to vector<256x256xf32>
    %ge3A_471 = arith.cmpf oge, %get3A_13, %ge3A_470 : vector<256x256xf32>
    %slice3A_472 = vector.extract_strided_slice %mul3A_100 {offsets = [23, 0], sizes = [1, 256], strides = [1, 1]} : vector<32x256xf32> to vector<1x256xf32>
    %broadcast_in_dim3A_473 = vector.shape_cast %slice3A_472 : vector<1x256xf32> to vector<1x256xf32>
    %broadcast_in_dim3A_474 = vector.broadcast %broadcast_in_dim3A_473 : vector<1x256xf32> to vector<256x256xf32>
    %select_n3A_475 = arith.select %ge3A_471, %broadcast_in_dim3A_474, %select_n3A_460 : vector<256x256xi1>, vector<256x256xf32>
    %slice3A_476 = vector.extract_strided_slice %add3A_110 {offsets = [23, 0], sizes = [1, 256], strides = [1, 1]} : vector<32x256xf32> to vector<1x256xf32>
    %broadcast_in_dim3A_477 = vector.shape_cast %slice3A_476 : vector<1x256xf32> to vector<1x256xf32>
    %broadcast_in_dim3A_478 = vector.broadcast %broadcast_in_dim3A_477 : vector<1x256xf32> to vector<256x256xf32>
    %select_n3A_479 = arith.select %ge3A_471, %broadcast_in_dim3A_478, %select_n3A_464 : vector<256x256xi1>, vector<256x256xf32>
    %slice3A_480 = vector.extract_strided_slice %select_n3A_130 {offsets = [23, 0], sizes = [1, 256], strides = [1, 1]} : vector<32x256xf32> to vector<1x256xf32>
    %broadcast_in_dim3A_481 = vector.shape_cast %slice3A_480 : vector<1x256xf32> to vector<1x256xf32>
    %broadcast_in_dim3A_482 = vector.broadcast %broadcast_in_dim3A_481 : vector<1x256xf32> to vector<256x256xf32>
    %select_n3A_483 = arith.select %ge3A_471, %broadcast_in_dim3A_482, %select_n3A_468 : vector<256x256xi1>, vector<256x256xf32>
    %slice3A_484 = vector.extract_strided_slice %mul3A_100 {offsets = [24, 0], sizes = [1, 256], strides = [1, 1]} : vector<32x256xf32> to vector<1x256xf32>
    %ge3A_485 = vector.broadcast %slice3A_484 : vector<1x256xf32> to vector<256x256xf32>
    %ge3A_486 = arith.cmpf oge, %get3A_13, %ge3A_485 : vector<256x256xf32>
    %slice3A_487 = vector.extract_strided_slice %mul3A_100 {offsets = [24, 0], sizes = [1, 256], strides = [1, 1]} : vector<32x256xf32> to vector<1x256xf32>
    %broadcast_in_dim3A_488 = vector.shape_cast %slice3A_487 : vector<1x256xf32> to vector<1x256xf32>
    %broadcast_in_dim3A_489 = vector.broadcast %broadcast_in_dim3A_488 : vector<1x256xf32> to vector<256x256xf32>
    %select_n3A_490 = arith.select %ge3A_486, %broadcast_in_dim3A_489, %select_n3A_475 : vector<256x256xi1>, vector<256x256xf32>
    %slice3A_491 = vector.extract_strided_slice %add3A_110 {offsets = [24, 0], sizes = [1, 256], strides = [1, 1]} : vector<32x256xf32> to vector<1x256xf32>
    %broadcast_in_dim3A_492 = vector.shape_cast %slice3A_491 : vector<1x256xf32> to vector<1x256xf32>
    %broadcast_in_dim3A_493 = vector.broadcast %broadcast_in_dim3A_492 : vector<1x256xf32> to vector<256x256xf32>
    %select_n3A_494 = arith.select %ge3A_486, %broadcast_in_dim3A_493, %select_n3A_479 : vector<256x256xi1>, vector<256x256xf32>
    %slice3A_495 = vector.extract_strided_slice %select_n3A_130 {offsets = [24, 0], sizes = [1, 256], strides = [1, 1]} : vector<32x256xf32> to vector<1x256xf32>
    %broadcast_in_dim3A_496 = vector.shape_cast %slice3A_495 : vector<1x256xf32> to vector<1x256xf32>
    %broadcast_in_dim3A_497 = vector.broadcast %broadcast_in_dim3A_496 : vector<1x256xf32> to vector<256x256xf32>
    %select_n3A_498 = arith.select %ge3A_486, %broadcast_in_dim3A_497, %select_n3A_483 : vector<256x256xi1>, vector<256x256xf32>
    %slice3A_499 = vector.extract_strided_slice %mul3A_100 {offsets = [25, 0], sizes = [1, 256], strides = [1, 1]} : vector<32x256xf32> to vector<1x256xf32>
    %ge3A_500 = vector.broadcast %slice3A_499 : vector<1x256xf32> to vector<256x256xf32>
    %ge3A_501 = arith.cmpf oge, %get3A_13, %ge3A_500 : vector<256x256xf32>
    %slice3A_502 = vector.extract_strided_slice %mul3A_100 {offsets = [25, 0], sizes = [1, 256], strides = [1, 1]} : vector<32x256xf32> to vector<1x256xf32>
    %broadcast_in_dim3A_503 = vector.shape_cast %slice3A_502 : vector<1x256xf32> to vector<1x256xf32>
    %broadcast_in_dim3A_504 = vector.broadcast %broadcast_in_dim3A_503 : vector<1x256xf32> to vector<256x256xf32>
    %select_n3A_505 = arith.select %ge3A_501, %broadcast_in_dim3A_504, %select_n3A_490 : vector<256x256xi1>, vector<256x256xf32>
    %slice3A_506 = vector.extract_strided_slice %add3A_110 {offsets = [25, 0], sizes = [1, 256], strides = [1, 1]} : vector<32x256xf32> to vector<1x256xf32>
    %broadcast_in_dim3A_507 = vector.shape_cast %slice3A_506 : vector<1x256xf32> to vector<1x256xf32>
    %broadcast_in_dim3A_508 = vector.broadcast %broadcast_in_dim3A_507 : vector<1x256xf32> to vector<256x256xf32>
    %select_n3A_509 = arith.select %ge3A_501, %broadcast_in_dim3A_508, %select_n3A_494 : vector<256x256xi1>, vector<256x256xf32>
    %slice3A_510 = vector.extract_strided_slice %select_n3A_130 {offsets = [25, 0], sizes = [1, 256], strides = [1, 1]} : vector<32x256xf32> to vector<1x256xf32>
    %broadcast_in_dim3A_511 = vector.shape_cast %slice3A_510 : vector<1x256xf32> to vector<1x256xf32>
    %broadcast_in_dim3A_512 = vector.broadcast %broadcast_in_dim3A_511 : vector<1x256xf32> to vector<256x256xf32>
    %select_n3A_513 = arith.select %ge3A_501, %broadcast_in_dim3A_512, %select_n3A_498 : vector<256x256xi1>, vector<256x256xf32>
    %slice3A_514 = vector.extract_strided_slice %mul3A_100 {offsets = [26, 0], sizes = [1, 256], strides = [1, 1]} : vector<32x256xf32> to vector<1x256xf32>
    %ge3A_515 = vector.broadcast %slice3A_514 : vector<1x256xf32> to vector<256x256xf32>
    %ge3A_516 = arith.cmpf oge, %get3A_13, %ge3A_515 : vector<256x256xf32>
    %slice3A_517 = vector.extract_strided_slice %mul3A_100 {offsets = [26, 0], sizes = [1, 256], strides = [1, 1]} : vector<32x256xf32> to vector<1x256xf32>
    %broadcast_in_dim3A_518 = vector.shape_cast %slice3A_517 : vector<1x256xf32> to vector<1x256xf32>
    %broadcast_in_dim3A_519 = vector.broadcast %broadcast_in_dim3A_518 : vector<1x256xf32> to vector<256x256xf32>
    %select_n3A_520 = arith.select %ge3A_516, %broadcast_in_dim3A_519, %select_n3A_505 : vector<256x256xi1>, vector<256x256xf32>
    %slice3A_521 = vector.extract_strided_slice %add3A_110 {offsets = [26, 0], sizes = [1, 256], strides = [1, 1]} : vector<32x256xf32> to vector<1x256xf32>
    %broadcast_in_dim3A_522 = vector.shape_cast %slice3A_521 : vector<1x256xf32> to vector<1x256xf32>
    %broadcast_in_dim3A_523 = vector.broadcast %broadcast_in_dim3A_522 : vector<1x256xf32> to vector<256x256xf32>
    %select_n3A_524 = arith.select %ge3A_516, %broadcast_in_dim3A_523, %select_n3A_509 : vector<256x256xi1>, vector<256x256xf32>
    %slice3A_525 = vector.extract_strided_slice %select_n3A_130 {offsets = [26, 0], sizes = [1, 256], strides = [1, 1]} : vector<32x256xf32> to vector<1x256xf32>
    %broadcast_in_dim3A_526 = vector.shape_cast %slice3A_525 : vector<1x256xf32> to vector<1x256xf32>
    %broadcast_in_dim3A_527 = vector.broadcast %broadcast_in_dim3A_526 : vector<1x256xf32> to vector<256x256xf32>
    %select_n3A_528 = arith.select %ge3A_516, %broadcast_in_dim3A_527, %select_n3A_513 : vector<256x256xi1>, vector<256x256xf32>
    %slice3A_529 = vector.extract_strided_slice %mul3A_100 {offsets = [27, 0], sizes = [1, 256], strides = [1, 1]} : vector<32x256xf32> to vector<1x256xf32>
    %ge3A_530 = vector.broadcast %slice3A_529 : vector<1x256xf32> to vector<256x256xf32>
    %ge3A_531 = arith.cmpf oge, %get3A_13, %ge3A_530 : vector<256x256xf32>
    %slice3A_532 = vector.extract_strided_slice %mul3A_100 {offsets = [27, 0], sizes = [1, 256], strides = [1, 1]} : vector<32x256xf32> to vector<1x256xf32>
    %broadcast_in_dim3A_533 = vector.shape_cast %slice3A_532 : vector<1x256xf32> to vector<1x256xf32>
    %broadcast_in_dim3A_534 = vector.broadcast %broadcast_in_dim3A_533 : vector<1x256xf32> to vector<256x256xf32>
    %select_n3A_535 = arith.select %ge3A_531, %broadcast_in_dim3A_534, %select_n3A_520 : vector<256x256xi1>, vector<256x256xf32>
    %slice3A_536 = vector.extract_strided_slice %add3A_110 {offsets = [27, 0], sizes = [1, 256], strides = [1, 1]} : vector<32x256xf32> to vector<1x256xf32>
    %broadcast_in_dim3A_537 = vector.shape_cast %slice3A_536 : vector<1x256xf32> to vector<1x256xf32>
    %broadcast_in_dim3A_538 = vector.broadcast %broadcast_in_dim3A_537 : vector<1x256xf32> to vector<256x256xf32>
    %select_n3A_539 = arith.select %ge3A_531, %broadcast_in_dim3A_538, %select_n3A_524 : vector<256x256xi1>, vector<256x256xf32>
    %slice3A_540 = vector.extract_strided_slice %select_n3A_130 {offsets = [27, 0], sizes = [1, 256], strides = [1, 1]} : vector<32x256xf32> to vector<1x256xf32>
    %broadcast_in_dim3A_541 = vector.shape_cast %slice3A_540 : vector<1x256xf32> to vector<1x256xf32>
    %broadcast_in_dim3A_542 = vector.broadcast %broadcast_in_dim3A_541 : vector<1x256xf32> to vector<256x256xf32>
    %select_n3A_543 = arith.select %ge3A_531, %broadcast_in_dim3A_542, %select_n3A_528 : vector<256x256xi1>, vector<256x256xf32>
    %slice3A_544 = vector.extract_strided_slice %mul3A_100 {offsets = [28, 0], sizes = [1, 256], strides = [1, 1]} : vector<32x256xf32> to vector<1x256xf32>
    %ge3A_545 = vector.broadcast %slice3A_544 : vector<1x256xf32> to vector<256x256xf32>
    %ge3A_546 = arith.cmpf oge, %get3A_13, %ge3A_545 : vector<256x256xf32>
    %slice3A_547 = vector.extract_strided_slice %mul3A_100 {offsets = [28, 0], sizes = [1, 256], strides = [1, 1]} : vector<32x256xf32> to vector<1x256xf32>
    %broadcast_in_dim3A_548 = vector.shape_cast %slice3A_547 : vector<1x256xf32> to vector<1x256xf32>
    %broadcast_in_dim3A_549 = vector.broadcast %broadcast_in_dim3A_548 : vector<1x256xf32> to vector<256x256xf32>
    %select_n3A_550 = arith.select %ge3A_546, %broadcast_in_dim3A_549, %select_n3A_535 : vector<256x256xi1>, vector<256x256xf32>
    %slice3A_551 = vector.extract_strided_slice %add3A_110 {offsets = [28, 0], sizes = [1, 256], strides = [1, 1]} : vector<32x256xf32> to vector<1x256xf32>
    %broadcast_in_dim3A_552 = vector.shape_cast %slice3A_551 : vector<1x256xf32> to vector<1x256xf32>
    %broadcast_in_dim3A_553 = vector.broadcast %broadcast_in_dim3A_552 : vector<1x256xf32> to vector<256x256xf32>
    %select_n3A_554 = arith.select %ge3A_546, %broadcast_in_dim3A_553, %select_n3A_539 : vector<256x256xi1>, vector<256x256xf32>
    %slice3A_555 = vector.extract_strided_slice %select_n3A_130 {offsets = [28, 0], sizes = [1, 256], strides = [1, 1]} : vector<32x256xf32> to vector<1x256xf32>
    %broadcast_in_dim3A_556 = vector.shape_cast %slice3A_555 : vector<1x256xf32> to vector<1x256xf32>
    %broadcast_in_dim3A_557 = vector.broadcast %broadcast_in_dim3A_556 : vector<1x256xf32> to vector<256x256xf32>
    %select_n3A_558 = arith.select %ge3A_546, %broadcast_in_dim3A_557, %select_n3A_543 : vector<256x256xi1>, vector<256x256xf32>
    %slice3A_559 = vector.extract_strided_slice %mul3A_100 {offsets = [29, 0], sizes = [1, 256], strides = [1, 1]} : vector<32x256xf32> to vector<1x256xf32>
    %ge3A_560 = vector.broadcast %slice3A_559 : vector<1x256xf32> to vector<256x256xf32>
    %ge3A_561 = arith.cmpf oge, %get3A_13, %ge3A_560 : vector<256x256xf32>
    %slice3A_562 = vector.extract_strided_slice %mul3A_100 {offsets = [29, 0], sizes = [1, 256], strides = [1, 1]} : vector<32x256xf32> to vector<1x256xf32>
    %broadcast_in_dim3A_563 = vector.shape_cast %slice3A_562 : vector<1x256xf32> to vector<1x256xf32>
    %broadcast_in_dim3A_564 = vector.broadcast %broadcast_in_dim3A_563 : vector<1x256xf32> to vector<256x256xf32>
    %select_n3A_565 = arith.select %ge3A_561, %broadcast_in_dim3A_564, %select_n3A_550 : vector<256x256xi1>, vector<256x256xf32>
    %slice3A_566 = vector.extract_strided_slice %add3A_110 {offsets = [29, 0], sizes = [1, 256], strides = [1, 1]} : vector<32x256xf32> to vector<1x256xf32>
    %broadcast_in_dim3A_567 = vector.shape_cast %slice3A_566 : vector<1x256xf32> to vector<1x256xf32>
    %broadcast_in_dim3A_568 = vector.broadcast %broadcast_in_dim3A_567 : vector<1x256xf32> to vector<256x256xf32>
    %select_n3A_569 = arith.select %ge3A_561, %broadcast_in_dim3A_568, %select_n3A_554 : vector<256x256xi1>, vector<256x256xf32>
    %slice3A_570 = vector.extract_strided_slice %select_n3A_130 {offsets = [29, 0], sizes = [1, 256], strides = [1, 1]} : vector<32x256xf32> to vector<1x256xf32>
    %broadcast_in_dim3A_571 = vector.shape_cast %slice3A_570 : vector<1x256xf32> to vector<1x256xf32>
    %broadcast_in_dim3A_572 = vector.broadcast %broadcast_in_dim3A_571 : vector<1x256xf32> to vector<256x256xf32>
    %select_n3A_573 = arith.select %ge3A_561, %broadcast_in_dim3A_572, %select_n3A_558 : vector<256x256xi1>, vector<256x256xf32>
    %slice3A_574 = vector.extract_strided_slice %mul3A_100 {offsets = [30, 0], sizes = [1, 256], strides = [1, 1]} : vector<32x256xf32> to vector<1x256xf32>
    %ge3A_575 = vector.broadcast %slice3A_574 : vector<1x256xf32> to vector<256x256xf32>
    %ge3A_576 = arith.cmpf oge, %get3A_13, %ge3A_575 : vector<256x256xf32>
    %slice3A_577 = vector.extract_strided_slice %mul3A_100 {offsets = [30, 0], sizes = [1, 256], strides = [1, 1]} : vector<32x256xf32> to vector<1x256xf32>
    %broadcast_in_dim3A_578 = vector.shape_cast %slice3A_577 : vector<1x256xf32> to vector<1x256xf32>
    %broadcast_in_dim3A_579 = vector.broadcast %broadcast_in_dim3A_578 : vector<1x256xf32> to vector<256x256xf32>
    %select_n3A_580 = arith.select %ge3A_576, %broadcast_in_dim3A_579, %select_n3A_565 : vector<256x256xi1>, vector<256x256xf32>
    %slice3A_581 = vector.extract_strided_slice %add3A_110 {offsets = [30, 0], sizes = [1, 256], strides = [1, 1]} : vector<32x256xf32> to vector<1x256xf32>
    %broadcast_in_dim3A_582 = vector.shape_cast %slice3A_581 : vector<1x256xf32> to vector<1x256xf32>
    %broadcast_in_dim3A_583 = vector.broadcast %broadcast_in_dim3A_582 : vector<1x256xf32> to vector<256x256xf32>
    %select_n3A_584 = arith.select %ge3A_576, %broadcast_in_dim3A_583, %select_n3A_569 : vector<256x256xi1>, vector<256x256xf32>
    %slice3A_585 = vector.extract_strided_slice %select_n3A_130 {offsets = [30, 0], sizes = [1, 256], strides = [1, 1]} : vector<32x256xf32> to vector<1x256xf32>
    %broadcast_in_dim3A_586 = vector.shape_cast %slice3A_585 : vector<1x256xf32> to vector<1x256xf32>
    %broadcast_in_dim3A_587 = vector.broadcast %broadcast_in_dim3A_586 : vector<1x256xf32> to vector<256x256xf32>
    %select_n3A_588 = arith.select %ge3A_576, %broadcast_in_dim3A_587, %select_n3A_573 : vector<256x256xi1>, vector<256x256xf32>
    %slice3A_589 = vector.extract_strided_slice %mul3A_100 {offsets = [31, 0], sizes = [1, 256], strides = [1, 1]} : vector<32x256xf32> to vector<1x256xf32>
    %ge3A_590 = vector.broadcast %slice3A_589 : vector<1x256xf32> to vector<256x256xf32>
    %ge3A_591 = arith.cmpf oge, %get3A_13, %ge3A_590 : vector<256x256xf32>
    %slice3A_592 = vector.extract_strided_slice %mul3A_100 {offsets = [31, 0], sizes = [1, 256], strides = [1, 1]} : vector<32x256xf32> to vector<1x256xf32>
    %broadcast_in_dim3A_593 = vector.shape_cast %slice3A_592 : vector<1x256xf32> to vector<1x256xf32>
    %broadcast_in_dim3A_594 = vector.broadcast %broadcast_in_dim3A_593 : vector<1x256xf32> to vector<256x256xf32>
    %select_n3A_595 = arith.select %ge3A_591, %broadcast_in_dim3A_594, %select_n3A_580 : vector<256x256xi1>, vector<256x256xf32>
    %slice3A_596 = vector.extract_strided_slice %add3A_110 {offsets = [31, 0], sizes = [1, 256], strides = [1, 1]} : vector<32x256xf32> to vector<1x256xf32>
    %broadcast_in_dim3A_597 = vector.shape_cast %slice3A_596 : vector<1x256xf32> to vector<1x256xf32>
    %broadcast_in_dim3A_598 = vector.broadcast %broadcast_in_dim3A_597 : vector<1x256xf32> to vector<256x256xf32>
    %select_n3A_599 = arith.select %ge3A_591, %broadcast_in_dim3A_598, %select_n3A_584 : vector<256x256xi1>, vector<256x256xf32>
    %slice3A_600 = vector.extract_strided_slice %select_n3A_130 {offsets = [31, 0], sizes = [1, 256], strides = [1, 1]} : vector<32x256xf32> to vector<1x256xf32>
    %broadcast_in_dim3A_601 = vector.shape_cast %slice3A_600 : vector<1x256xf32> to vector<1x256xf32>
    %broadcast_in_dim3A_602 = vector.broadcast %broadcast_in_dim3A_601 : vector<1x256xf32> to vector<256x256xf32>
    %select_n3A_603 = arith.select %ge3A_591, %broadcast_in_dim3A_602, %select_n3A_588 : vector<256x256xi1>, vector<256x256xf32>
    %sub3A_604 = arith.subf %get3A_13, %select_n3A_595 : vector<256x256xf32>
    %mul3A_605 = arith.mulf %sub3A_604, %select_n3A_603 : vector<256x256xf32>
    %add3A_606 = arith.addf %select_n3A_599, %mul3A_605 : vector<256x256xf32>
    %reshape3A = vector.shape_cast %add3A_606 : vector<256x256xf32> to vector<128x2x1x256xf32>
    %slice3A_607 = vector.extract_strided_slice %reshape3A {offsets = [0, 0, 0, 0], sizes = [128, 1, 1, 256], strides = [1, 1, 1, 1]} : vector<128x2x1x256xf32> to vector<128x1x1x256xf32>
    %squeeze3A = vector.shape_cast %slice3A_607 : vector<128x1x1x256xf32> to vector<128x1x256xf32>
    %slice3A_608 = vector.extract_strided_slice %reshape3A {offsets = [0, 1, 0, 0], sizes = [128, 1, 1, 256], strides = [1, 1, 1, 1]} : vector<128x2x1x256xf32> to vector<128x1x1x256xf32>
    %squeeze3A_609 = vector.shape_cast %slice3A_608 : vector<128x1x1x256xf32> to vector<128x1x256xf32>
    %min3A = arith.minimumf %squeeze3A, %squeeze3A_609 : vector<128x1x256xf32>
    %broadcast_in_dim3A_610 = vector.shape_cast %min3A : vector<128x1x256xf32> to vector<128x1x1x256xf32>
    %max3A_611 = arith.maximumf %squeeze3A, %squeeze3A_609 : vector<128x1x256xf32>
    %broadcast_in_dim3A_612 = vector.shape_cast %max3A_611 : vector<128x1x256xf32> to vector<128x1x1x256xf32>
    %concatenate3A_613 = tpu.concatenate %broadcast_in_dim3A_610, %broadcast_in_dim3A_612 in 1 : vector<128x1x1x256xf32>, vector<128x1x1x256xf32> -> vector<128x2x1x256xf32>
    %reshape3A_614 = vector.shape_cast %concatenate3A_613 : vector<128x2x1x256xf32> to vector<256x256xf32>
    %reshape3A_615 = vector.shape_cast %reshape3A_614 : vector<256x256xf32> to vector<64x2x2x256xf32>
    %slice3A_616 = vector.extract_strided_slice %reshape3A_615 {offsets = [0, 0, 0, 0], sizes = [64, 1, 2, 256], strides = [1, 1, 1, 1]} : vector<64x2x2x256xf32> to vector<64x1x2x256xf32>
    %squeeze3A_617 = vector.shape_cast %slice3A_616 : vector<64x1x2x256xf32> to vector<64x2x256xf32>
    %slice3A_618 = vector.extract_strided_slice %reshape3A_615 {offsets = [0, 1, 0, 0], sizes = [64, 1, 2, 256], strides = [1, 1, 1, 1]} : vector<64x2x2x256xf32> to vector<64x1x2x256xf32>
    %squeeze3A_619 = vector.shape_cast %slice3A_618 : vector<64x1x2x256xf32> to vector<64x2x256xf32>
    %min3A_620 = arith.minimumf %squeeze3A_617, %squeeze3A_619 : vector<64x2x256xf32>
    %broadcast_in_dim3A_621 = vector.shape_cast %min3A_620 : vector<64x2x256xf32> to vector<64x1x2x256xf32>
    %max3A_622 = arith.maximumf %squeeze3A_617, %squeeze3A_619 : vector<64x2x256xf32>
    %broadcast_in_dim3A_623 = vector.shape_cast %max3A_622 : vector<64x2x256xf32> to vector<64x1x2x256xf32>
    %concatenate3A_624 = tpu.concatenate %broadcast_in_dim3A_621, %broadcast_in_dim3A_623 in 1 : vector<64x1x2x256xf32>, vector<64x1x2x256xf32> -> vector<64x2x2x256xf32>
    %reshape3A_625 = vector.shape_cast %concatenate3A_624 : vector<64x2x2x256xf32> to vector<256x256xf32>
    %reshape3A_626 = vector.shape_cast %reshape3A_625 : vector<256x256xf32> to vector<64x4x256xf32>
    %slice3A_627 = vector.extract_strided_slice %reshape3A_626 {offsets = [0, 0, 0], sizes = [64, 1, 256], strides = [1, 1, 1]} : vector<64x4x256xf32> to vector<64x1x256xf32>
    %slice3A_628 = vector.extract_strided_slice %reshape3A_626 {offsets = [0, 3, 0], sizes = [64, 1, 256], strides = [1, 1, 1]} : vector<64x4x256xf32> to vector<64x1x256xf32>
    %slice3A_629 = vector.extract_strided_slice %reshape3A_626 {offsets = [0, 1, 0], sizes = [64, 2, 256], strides = [1, 1, 1]} : vector<64x4x256xf32> to vector<64x2x256xf32>
    %reshape3A_630 = vector.shape_cast %slice3A_629 : vector<64x2x256xf32> to vector<64x1x2x1x256xf32>
    %slice3A_631 = vector.extract_strided_slice %reshape3A_630 {offsets = [0, 0, 0, 0, 0], sizes = [64, 1, 1, 1, 256], strides = [1, 1, 1, 1, 1]} : vector<64x1x2x1x256xf32> to vector<64x1x1x1x256xf32>
    %squeeze3A_632 = vector.shape_cast %slice3A_631 : vector<64x1x1x1x256xf32> to vector<64x1x1x256xf32>
    %slice3A_633 = vector.extract_strided_slice %reshape3A_630 {offsets = [0, 0, 1, 0, 0], sizes = [64, 1, 1, 1, 256], strides = [1, 1, 1, 1, 1]} : vector<64x1x2x1x256xf32> to vector<64x1x1x1x256xf32>
    %squeeze3A_634 = vector.shape_cast %slice3A_633 : vector<64x1x1x1x256xf32> to vector<64x1x1x256xf32>
    %min3A_635 = arith.minimumf %squeeze3A_632, %squeeze3A_634 : vector<64x1x1x256xf32>
    %broadcast_in_dim3A_636 = vector.shape_cast %min3A_635 : vector<64x1x1x256xf32> to vector<64x1x1x1x256xf32>
    %max3A_637 = arith.maximumf %squeeze3A_632, %squeeze3A_634 : vector<64x1x1x256xf32>
    %broadcast_in_dim3A_638 = vector.shape_cast %max3A_637 : vector<64x1x1x256xf32> to vector<64x1x1x1x256xf32>
    %concatenate3A_639 = tpu.concatenate %broadcast_in_dim3A_636, %broadcast_in_dim3A_638 in 2 : vector<64x1x1x1x256xf32>, vector<64x1x1x1x256xf32> -> vector<64x1x2x1x256xf32>
    %reshape3A_640 = vector.shape_cast %concatenate3A_639 : vector<64x1x2x1x256xf32> to vector<64x2x256xf32>
    %concatenate3A_641 = tpu.concatenate %slice3A_627, %reshape3A_640, %slice3A_628 in 1 : vector<64x1x256xf32>, vector<64x2x256xf32>, vector<64x1x256xf32> -> vector<64x4x256xf32>
    %reshape3A_642 = vector.shape_cast %concatenate3A_641 : vector<64x4x256xf32> to vector<256x256xf32>
    %reshape3A_643 = vector.shape_cast %reshape3A_642 : vector<256x256xf32> to vector<32x2x4x256xf32>
    %slice3A_644 = vector.extract_strided_slice %reshape3A_643 {offsets = [0, 0, 0, 0], sizes = [32, 1, 4, 256], strides = [1, 1, 1, 1]} : vector<32x2x4x256xf32> to vector<32x1x4x256xf32>
    %squeeze3A_645 = vector.shape_cast %slice3A_644 : vector<32x1x4x256xf32> to vector<32x4x256xf32>
    %slice3A_646 = vector.extract_strided_slice %reshape3A_643 {offsets = [0, 1, 0, 0], sizes = [32, 1, 4, 256], strides = [1, 1, 1, 1]} : vector<32x2x4x256xf32> to vector<32x1x4x256xf32>
    %squeeze3A_647 = vector.shape_cast %slice3A_646 : vector<32x1x4x256xf32> to vector<32x4x256xf32>
    %min3A_648 = arith.minimumf %squeeze3A_645, %squeeze3A_647 : vector<32x4x256xf32>
    %broadcast_in_dim3A_649 = vector.shape_cast %min3A_648 : vector<32x4x256xf32> to vector<32x1x4x256xf32>
    %max3A_650 = arith.maximumf %squeeze3A_645, %squeeze3A_647 : vector<32x4x256xf32>
    %broadcast_in_dim3A_651 = vector.shape_cast %max3A_650 : vector<32x4x256xf32> to vector<32x1x4x256xf32>
    %concatenate3A_652 = tpu.concatenate %broadcast_in_dim3A_649, %broadcast_in_dim3A_651 in 1 : vector<32x1x4x256xf32>, vector<32x1x4x256xf32> -> vector<32x2x4x256xf32>
    %reshape3A_653 = vector.shape_cast %concatenate3A_652 : vector<32x2x4x256xf32> to vector<256x256xf32>
    %reshape3A_654 = vector.shape_cast %reshape3A_653 : vector<256x256xf32> to vector<32x8x256xf32>
    %slice3A_655 = vector.extract_strided_slice %reshape3A_654 {offsets = [0, 0, 0], sizes = [32, 2, 256], strides = [1, 1, 1]} : vector<32x8x256xf32> to vector<32x2x256xf32>
    %slice3A_656 = vector.extract_strided_slice %reshape3A_654 {offsets = [0, 6, 0], sizes = [32, 2, 256], strides = [1, 1, 1]} : vector<32x8x256xf32> to vector<32x2x256xf32>
    %slice3A_657 = vector.extract_strided_slice %reshape3A_654 {offsets = [0, 2, 0], sizes = [32, 4, 256], strides = [1, 1, 1]} : vector<32x8x256xf32> to vector<32x4x256xf32>
    %reshape3A_658 = vector.shape_cast %slice3A_657 : vector<32x4x256xf32> to vector<32x1x2x2x256xf32>
    %slice3A_659 = vector.extract_strided_slice %reshape3A_658 {offsets = [0, 0, 0, 0, 0], sizes = [32, 1, 1, 2, 256], strides = [1, 1, 1, 1, 1]} : vector<32x1x2x2x256xf32> to vector<32x1x1x2x256xf32>
    %squeeze3A_660 = vector.shape_cast %slice3A_659 : vector<32x1x1x2x256xf32> to vector<32x1x2x256xf32>
    %slice3A_661 = vector.extract_strided_slice %reshape3A_658 {offsets = [0, 0, 1, 0, 0], sizes = [32, 1, 1, 2, 256], strides = [1, 1, 1, 1, 1]} : vector<32x1x2x2x256xf32> to vector<32x1x1x2x256xf32>
    %squeeze3A_662 = vector.shape_cast %slice3A_661 : vector<32x1x1x2x256xf32> to vector<32x1x2x256xf32>
    %min3A_663 = arith.minimumf %squeeze3A_660, %squeeze3A_662 : vector<32x1x2x256xf32>
    %broadcast_in_dim3A_664 = vector.shape_cast %min3A_663 : vector<32x1x2x256xf32> to vector<32x1x1x2x256xf32>
    %max3A_665 = arith.maximumf %squeeze3A_660, %squeeze3A_662 : vector<32x1x2x256xf32>
    %broadcast_in_dim3A_666 = vector.shape_cast %max3A_665 : vector<32x1x2x256xf32> to vector<32x1x1x2x256xf32>
    %concatenate3A_667 = tpu.concatenate %broadcast_in_dim3A_664, %broadcast_in_dim3A_666 in 2 : vector<32x1x1x2x256xf32>, vector<32x1x1x2x256xf32> -> vector<32x1x2x2x256xf32>
    %reshape3A_668 = vector.shape_cast %concatenate3A_667 : vector<32x1x2x2x256xf32> to vector<32x4x256xf32>
    %concatenate3A_669 = tpu.concatenate %slice3A_655, %reshape3A_668, %slice3A_656 in 1 : vector<32x2x256xf32>, vector<32x4x256xf32>, vector<32x2x256xf32> -> vector<32x8x256xf32>
    %reshape3A_670 = vector.shape_cast %concatenate3A_669 : vector<32x8x256xf32> to vector<256x256xf32>
    %reshape3A_671 = vector.shape_cast %reshape3A_670 : vector<256x256xf32> to vector<32x8x256xf32>
    %slice3A_672 = vector.extract_strided_slice %reshape3A_671 {offsets = [0, 0, 0], sizes = [32, 1, 256], strides = [1, 1, 1]} : vector<32x8x256xf32> to vector<32x1x256xf32>
    %slice3A_673 = vector.extract_strided_slice %reshape3A_671 {offsets = [0, 7, 0], sizes = [32, 1, 256], strides = [1, 1, 1]} : vector<32x8x256xf32> to vector<32x1x256xf32>
    %slice3A_674 = vector.extract_strided_slice %reshape3A_671 {offsets = [0, 1, 0], sizes = [32, 6, 256], strides = [1, 1, 1]} : vector<32x8x256xf32> to vector<32x6x256xf32>
    %reshape3A_675 = vector.shape_cast %slice3A_674 : vector<32x6x256xf32> to vector<32x3x2x1x256xf32>
    %slice3A_676 = vector.extract_strided_slice %reshape3A_675 {offsets = [0, 0, 0, 0, 0], sizes = [32, 3, 1, 1, 256], strides = [1, 1, 1, 1, 1]} : vector<32x3x2x1x256xf32> to vector<32x3x1x1x256xf32>
    %squeeze3A_677 = vector.shape_cast %slice3A_676 : vector<32x3x1x1x256xf32> to vector<32x3x1x256xf32>
    %slice3A_678 = vector.extract_strided_slice %reshape3A_675 {offsets = [0, 0, 1, 0, 0], sizes = [32, 3, 1, 1, 256], strides = [1, 1, 1, 1, 1]} : vector<32x3x2x1x256xf32> to vector<32x3x1x1x256xf32>
    %squeeze3A_679 = vector.shape_cast %slice3A_678 : vector<32x3x1x1x256xf32> to vector<32x3x1x256xf32>
    %min3A_680 = arith.minimumf %squeeze3A_677, %squeeze3A_679 : vector<32x3x1x256xf32>
    %broadcast_in_dim3A_681 = vector.shape_cast %min3A_680 : vector<32x3x1x256xf32> to vector<32x3x1x1x256xf32>
    %max3A_682 = arith.maximumf %squeeze3A_677, %squeeze3A_679 : vector<32x3x1x256xf32>
    %broadcast_in_dim3A_683 = vector.shape_cast %max3A_682 : vector<32x3x1x256xf32> to vector<32x3x1x1x256xf32>
    %concatenate3A_684 = tpu.concatenate %broadcast_in_dim3A_681, %broadcast_in_dim3A_683 in 2 : vector<32x3x1x1x256xf32>, vector<32x3x1x1x256xf32> -> vector<32x3x2x1x256xf32>
    %reshape3A_685 = vector.shape_cast %concatenate3A_684 : vector<32x3x2x1x256xf32> to vector<32x6x256xf32>
    %concatenate3A_686 = tpu.concatenate %slice3A_672, %reshape3A_685, %slice3A_673 in 1 : vector<32x1x256xf32>, vector<32x6x256xf32>, vector<32x1x256xf32> -> vector<32x8x256xf32>
    %reshape3A_687 = vector.shape_cast %concatenate3A_686 : vector<32x8x256xf32> to vector<256x256xf32>
    %reshape3A_688 = vector.shape_cast %reshape3A_687 : vector<256x256xf32> to vector<16x2x8x256xf32>
    %slice3A_689 = vector.extract_strided_slice %reshape3A_688 {offsets = [0, 0, 0, 0], sizes = [16, 1, 8, 256], strides = [1, 1, 1, 1]} : vector<16x2x8x256xf32> to vector<16x1x8x256xf32>
    %squeeze3A_690 = vector.shape_cast %slice3A_689 : vector<16x1x8x256xf32> to vector<16x8x256xf32>
    %slice3A_691 = vector.extract_strided_slice %reshape3A_688 {offsets = [0, 1, 0, 0], sizes = [16, 1, 8, 256], strides = [1, 1, 1, 1]} : vector<16x2x8x256xf32> to vector<16x1x8x256xf32>
    %squeeze3A_692 = vector.shape_cast %slice3A_691 : vector<16x1x8x256xf32> to vector<16x8x256xf32>
    %min3A_693 = arith.minimumf %squeeze3A_690, %squeeze3A_692 : vector<16x8x256xf32>
    %broadcast_in_dim3A_694 = vector.shape_cast %min3A_693 : vector<16x8x256xf32> to vector<16x1x8x256xf32>
    %max3A_695 = arith.maximumf %squeeze3A_690, %squeeze3A_692 : vector<16x8x256xf32>
    %broadcast_in_dim3A_696 = vector.shape_cast %max3A_695 : vector<16x8x256xf32> to vector<16x1x8x256xf32>
    %concatenate3A_697 = tpu.concatenate %broadcast_in_dim3A_694, %broadcast_in_dim3A_696 in 1 : vector<16x1x8x256xf32>, vector<16x1x8x256xf32> -> vector<16x2x8x256xf32>
    %reshape3A_698 = vector.shape_cast %concatenate3A_697 : vector<16x2x8x256xf32> to vector<256x256xf32>
    %reshape3A_699 = vector.shape_cast %reshape3A_698 : vector<256x256xf32> to vector<16x16x256xf32>
    %slice3A_700 = vector.extract_strided_slice %reshape3A_699 {offsets = [0, 0, 0], sizes = [16, 4, 256], strides = [1, 1, 1]} : vector<16x16x256xf32> to vector<16x4x256xf32>
    %slice3A_701 = vector.extract_strided_slice %reshape3A_699 {offsets = [0, 12, 0], sizes = [16, 4, 256], strides = [1, 1, 1]} : vector<16x16x256xf32> to vector<16x4x256xf32>
    %slice3A_702 = vector.extract_strided_slice %reshape3A_699 {offsets = [0, 4, 0], sizes = [16, 8, 256], strides = [1, 1, 1]} : vector<16x16x256xf32> to vector<16x8x256xf32>
    %reshape3A_703 = vector.shape_cast %slice3A_702 : vector<16x8x256xf32> to vector<16x1x2x4x256xf32>
    %slice3A_704 = vector.extract_strided_slice %reshape3A_703 {offsets = [0, 0, 0, 0, 0], sizes = [16, 1, 1, 4, 256], strides = [1, 1, 1, 1, 1]} : vector<16x1x2x4x256xf32> to vector<16x1x1x4x256xf32>
    %squeeze3A_705 = vector.shape_cast %slice3A_704 : vector<16x1x1x4x256xf32> to vector<16x1x4x256xf32>
    %slice3A_706 = vector.extract_strided_slice %reshape3A_703 {offsets = [0, 0, 1, 0, 0], sizes = [16, 1, 1, 4, 256], strides = [1, 1, 1, 1, 1]} : vector<16x1x2x4x256xf32> to vector<16x1x1x4x256xf32>
    %squeeze3A_707 = vector.shape_cast %slice3A_706 : vector<16x1x1x4x256xf32> to vector<16x1x4x256xf32>
    %min3A_708 = arith.minimumf %squeeze3A_705, %squeeze3A_707 : vector<16x1x4x256xf32>
    %broadcast_in_dim3A_709 = vector.shape_cast %min3A_708 : vector<16x1x4x256xf32> to vector<16x1x1x4x256xf32>
    %max3A_710 = arith.maximumf %squeeze3A_705, %squeeze3A_707 : vector<16x1x4x256xf32>
    %broadcast_in_dim3A_711 = vector.shape_cast %max3A_710 : vector<16x1x4x256xf32> to vector<16x1x1x4x256xf32>
    %concatenate3A_712 = tpu.concatenate %broadcast_in_dim3A_709, %broadcast_in_dim3A_711 in 2 : vector<16x1x1x4x256xf32>, vector<16x1x1x4x256xf32> -> vector<16x1x2x4x256xf32>
    %reshape3A_713 = vector.shape_cast %concatenate3A_712 : vector<16x1x2x4x256xf32> to vector<16x8x256xf32>
    %concatenate3A_714 = tpu.concatenate %slice3A_700, %reshape3A_713, %slice3A_701 in 1 : vector<16x4x256xf32>, vector<16x8x256xf32>, vector<16x4x256xf32> -> vector<16x16x256xf32>
    %reshape3A_715 = vector.shape_cast %concatenate3A_714 : vector<16x16x256xf32> to vector<256x256xf32>
    %reshape3A_716 = vector.shape_cast %reshape3A_715 : vector<256x256xf32> to vector<16x16x256xf32>
    %slice3A_717 = vector.extract_strided_slice %reshape3A_716 {offsets = [0, 0, 0], sizes = [16, 2, 256], strides = [1, 1, 1]} : vector<16x16x256xf32> to vector<16x2x256xf32>
    %slice3A_718 = vector.extract_strided_slice %reshape3A_716 {offsets = [0, 14, 0], sizes = [16, 2, 256], strides = [1, 1, 1]} : vector<16x16x256xf32> to vector<16x2x256xf32>
    %slice3A_719 = vector.extract_strided_slice %reshape3A_716 {offsets = [0, 2, 0], sizes = [16, 12, 256], strides = [1, 1, 1]} : vector<16x16x256xf32> to vector<16x12x256xf32>
    %reshape3A_720 = vector.shape_cast %slice3A_719 : vector<16x12x256xf32> to vector<16x3x2x2x256xf32>
    %slice3A_721 = vector.extract_strided_slice %reshape3A_720 {offsets = [0, 0, 0, 0, 0], sizes = [16, 3, 1, 2, 256], strides = [1, 1, 1, 1, 1]} : vector<16x3x2x2x256xf32> to vector<16x3x1x2x256xf32>
    %squeeze3A_722 = vector.shape_cast %slice3A_721 : vector<16x3x1x2x256xf32> to vector<16x3x2x256xf32>
    %slice3A_723 = vector.extract_strided_slice %reshape3A_720 {offsets = [0, 0, 1, 0, 0], sizes = [16, 3, 1, 2, 256], strides = [1, 1, 1, 1, 1]} : vector<16x3x2x2x256xf32> to vector<16x3x1x2x256xf32>
    %squeeze3A_724 = vector.shape_cast %slice3A_723 : vector<16x3x1x2x256xf32> to vector<16x3x2x256xf32>
    %min3A_725 = arith.minimumf %squeeze3A_722, %squeeze3A_724 : vector<16x3x2x256xf32>
    %broadcast_in_dim3A_726 = vector.shape_cast %min3A_725 : vector<16x3x2x256xf32> to vector<16x3x1x2x256xf32>
    %max3A_727 = arith.maximumf %squeeze3A_722, %squeeze3A_724 : vector<16x3x2x256xf32>
    %broadcast_in_dim3A_728 = vector.shape_cast %max3A_727 : vector<16x3x2x256xf32> to vector<16x3x1x2x256xf32>
    %concatenate3A_729 = tpu.concatenate %broadcast_in_dim3A_726, %broadcast_in_dim3A_728 in 2 : vector<16x3x1x2x256xf32>, vector<16x3x1x2x256xf32> -> vector<16x3x2x2x256xf32>
    %reshape3A_730 = vector.shape_cast %concatenate3A_729 : vector<16x3x2x2x256xf32> to vector<16x12x256xf32>
    %concatenate3A_731 = tpu.concatenate %slice3A_717, %reshape3A_730, %slice3A_718 in 1 : vector<16x2x256xf32>, vector<16x12x256xf32>, vector<16x2x256xf32> -> vector<16x16x256xf32>
    %reshape3A_732 = vector.shape_cast %concatenate3A_731 : vector<16x16x256xf32> to vector<256x256xf32>
    %reshape3A_733 = vector.shape_cast %reshape3A_732 : vector<256x256xf32> to vector<16x16x256xf32>
    %slice3A_734 = vector.extract_strided_slice %reshape3A_733 {offsets = [0, 0, 0], sizes = [16, 1, 256], strides = [1, 1, 1]} : vector<16x16x256xf32> to vector<16x1x256xf32>
    %slice3A_735 = vector.extract_strided_slice %reshape3A_733 {offsets = [0, 15, 0], sizes = [16, 1, 256], strides = [1, 1, 1]} : vector<16x16x256xf32> to vector<16x1x256xf32>
    %slice3A_736 = vector.extract_strided_slice %reshape3A_733 {offsets = [0, 1, 0], sizes = [16, 14, 256], strides = [1, 1, 1]} : vector<16x16x256xf32> to vector<16x14x256xf32>
    %reshape3A_737 = vector.shape_cast %slice3A_736 : vector<16x14x256xf32> to vector<16x7x2x1x256xf32>
    %slice3A_738 = vector.extract_strided_slice %reshape3A_737 {offsets = [0, 0, 0, 0, 0], sizes = [16, 7, 1, 1, 256], strides = [1, 1, 1, 1, 1]} : vector<16x7x2x1x256xf32> to vector<16x7x1x1x256xf32>
    %squeeze3A_739 = vector.shape_cast %slice3A_738 : vector<16x7x1x1x256xf32> to vector<16x7x1x256xf32>
    %slice3A_740 = vector.extract_strided_slice %reshape3A_737 {offsets = [0, 0, 1, 0, 0], sizes = [16, 7, 1, 1, 256], strides = [1, 1, 1, 1, 1]} : vector<16x7x2x1x256xf32> to vector<16x7x1x1x256xf32>
    %squeeze3A_741 = vector.shape_cast %slice3A_740 : vector<16x7x1x1x256xf32> to vector<16x7x1x256xf32>
    %min3A_742 = arith.minimumf %squeeze3A_739, %squeeze3A_741 : vector<16x7x1x256xf32>
    %broadcast_in_dim3A_743 = vector.shape_cast %min3A_742 : vector<16x7x1x256xf32> to vector<16x7x1x1x256xf32>
    %max3A_744 = arith.maximumf %squeeze3A_739, %squeeze3A_741 : vector<16x7x1x256xf32>
    %broadcast_in_dim3A_745 = vector.shape_cast %max3A_744 : vector<16x7x1x256xf32> to vector<16x7x1x1x256xf32>
    %concatenate3A_746 = tpu.concatenate %broadcast_in_dim3A_743, %broadcast_in_dim3A_745 in 2 : vector<16x7x1x1x256xf32>, vector<16x7x1x1x256xf32> -> vector<16x7x2x1x256xf32>
    %reshape3A_747 = vector.shape_cast %concatenate3A_746 : vector<16x7x2x1x256xf32> to vector<16x14x256xf32>
    %concatenate3A_748 = tpu.concatenate %slice3A_734, %reshape3A_747, %slice3A_735 in 1 : vector<16x1x256xf32>, vector<16x14x256xf32>, vector<16x1x256xf32> -> vector<16x16x256xf32>
    %reshape3A_749 = vector.shape_cast %concatenate3A_748 : vector<16x16x256xf32> to vector<256x256xf32>
    %reshape3A_750 = vector.shape_cast %reshape3A_749 : vector<256x256xf32> to vector<8x2x16x256xf32>
    %slice3A_751 = vector.extract_strided_slice %reshape3A_750 {offsets = [0, 0, 0, 0], sizes = [8, 1, 16, 256], strides = [1, 1, 1, 1]} : vector<8x2x16x256xf32> to vector<8x1x16x256xf32>
    %squeeze3A_752 = vector.shape_cast %slice3A_751 : vector<8x1x16x256xf32> to vector<8x16x256xf32>
    %slice3A_753 = vector.extract_strided_slice %reshape3A_750 {offsets = [0, 1, 0, 0], sizes = [8, 1, 16, 256], strides = [1, 1, 1, 1]} : vector<8x2x16x256xf32> to vector<8x1x16x256xf32>
    %squeeze3A_754 = vector.shape_cast %slice3A_753 : vector<8x1x16x256xf32> to vector<8x16x256xf32>
    %min3A_755 = arith.minimumf %squeeze3A_752, %squeeze3A_754 : vector<8x16x256xf32>
    %broadcast_in_dim3A_756 = vector.shape_cast %min3A_755 : vector<8x16x256xf32> to vector<8x1x16x256xf32>
    %max3A_757 = arith.maximumf %squeeze3A_752, %squeeze3A_754 : vector<8x16x256xf32>
    %broadcast_in_dim3A_758 = vector.shape_cast %max3A_757 : vector<8x16x256xf32> to vector<8x1x16x256xf32>
    %concatenate3A_759 = tpu.concatenate %broadcast_in_dim3A_756, %broadcast_in_dim3A_758 in 1 : vector<8x1x16x256xf32>, vector<8x1x16x256xf32> -> vector<8x2x16x256xf32>
    %reshape3A_760 = vector.shape_cast %concatenate3A_759 : vector<8x2x16x256xf32> to vector<256x256xf32>
    %reshape3A_761 = vector.shape_cast %reshape3A_760 : vector<256x256xf32> to vector<8x32x256xf32>
    %slice3A_762 = vector.extract_strided_slice %reshape3A_761 {offsets = [0, 0, 0], sizes = [8, 8, 256], strides = [1, 1, 1]} : vector<8x32x256xf32> to vector<8x8x256xf32>
    %slice3A_763 = vector.extract_strided_slice %reshape3A_761 {offsets = [0, 24, 0], sizes = [8, 8, 256], strides = [1, 1, 1]} : vector<8x32x256xf32> to vector<8x8x256xf32>
    %slice3A_764 = vector.extract_strided_slice %reshape3A_761 {offsets = [0, 8, 0], sizes = [8, 16, 256], strides = [1, 1, 1]} : vector<8x32x256xf32> to vector<8x16x256xf32>
    %reshape3A_765 = vector.shape_cast %slice3A_764 : vector<8x16x256xf32> to vector<8x1x2x8x256xf32>
    %slice3A_766 = vector.extract_strided_slice %reshape3A_765 {offsets = [0, 0, 0, 0, 0], sizes = [8, 1, 1, 8, 256], strides = [1, 1, 1, 1, 1]} : vector<8x1x2x8x256xf32> to vector<8x1x1x8x256xf32>
    %squeeze3A_767 = vector.shape_cast %slice3A_766 : vector<8x1x1x8x256xf32> to vector<8x1x8x256xf32>
    %slice3A_768 = vector.extract_strided_slice %reshape3A_765 {offsets = [0, 0, 1, 0, 0], sizes = [8, 1, 1, 8, 256], strides = [1, 1, 1, 1, 1]} : vector<8x1x2x8x256xf32> to vector<8x1x1x8x256xf32>
    %squeeze3A_769 = vector.shape_cast %slice3A_768 : vector<8x1x1x8x256xf32> to vector<8x1x8x256xf32>
    %min3A_770 = arith.minimumf %squeeze3A_767, %squeeze3A_769 : vector<8x1x8x256xf32>
    %broadcast_in_dim3A_771 = vector.shape_cast %min3A_770 : vector<8x1x8x256xf32> to vector<8x1x1x8x256xf32>
    %max3A_772 = arith.maximumf %squeeze3A_767, %squeeze3A_769 : vector<8x1x8x256xf32>
    %broadcast_in_dim3A_773 = vector.shape_cast %max3A_772 : vector<8x1x8x256xf32> to vector<8x1x1x8x256xf32>
    %concatenate3A_774 = tpu.concatenate %broadcast_in_dim3A_771, %broadcast_in_dim3A_773 in 2 : vector<8x1x1x8x256xf32>, vector<8x1x1x8x256xf32> -> vector<8x1x2x8x256xf32>
    %reshape3A_775 = vector.shape_cast %concatenate3A_774 : vector<8x1x2x8x256xf32> to vector<8x16x256xf32>
    %concatenate3A_776 = tpu.concatenate %slice3A_762, %reshape3A_775, %slice3A_763 in 1 : vector<8x8x256xf32>, vector<8x16x256xf32>, vector<8x8x256xf32> -> vector<8x32x256xf32>
    %reshape3A_777 = vector.shape_cast %concatenate3A_776 : vector<8x32x256xf32> to vector<256x256xf32>
    %reshape3A_778 = vector.shape_cast %reshape3A_777 : vector<256x256xf32> to vector<8x32x256xf32>
    %slice3A_779 = vector.extract_strided_slice %reshape3A_778 {offsets = [0, 0, 0], sizes = [8, 4, 256], strides = [1, 1, 1]} : vector<8x32x256xf32> to vector<8x4x256xf32>
    %slice3A_780 = vector.extract_strided_slice %reshape3A_778 {offsets = [0, 28, 0], sizes = [8, 4, 256], strides = [1, 1, 1]} : vector<8x32x256xf32> to vector<8x4x256xf32>
    %slice3A_781 = vector.extract_strided_slice %reshape3A_778 {offsets = [0, 4, 0], sizes = [8, 24, 256], strides = [1, 1, 1]} : vector<8x32x256xf32> to vector<8x24x256xf32>
    %reshape3A_782 = vector.shape_cast %slice3A_781 : vector<8x24x256xf32> to vector<8x3x2x4x256xf32>
    %slice3A_783 = vector.extract_strided_slice %reshape3A_782 {offsets = [0, 0, 0, 0, 0], sizes = [8, 3, 1, 4, 256], strides = [1, 1, 1, 1, 1]} : vector<8x3x2x4x256xf32> to vector<8x3x1x4x256xf32>
    %squeeze3A_784 = vector.shape_cast %slice3A_783 : vector<8x3x1x4x256xf32> to vector<8x3x4x256xf32>
    %slice3A_785 = vector.extract_strided_slice %reshape3A_782 {offsets = [0, 0, 1, 0, 0], sizes = [8, 3, 1, 4, 256], strides = [1, 1, 1, 1, 1]} : vector<8x3x2x4x256xf32> to vector<8x3x1x4x256xf32>
    %squeeze3A_786 = vector.shape_cast %slice3A_785 : vector<8x3x1x4x256xf32> to vector<8x3x4x256xf32>
    %min3A_787 = arith.minimumf %squeeze3A_784, %squeeze3A_786 : vector<8x3x4x256xf32>
    %broadcast_in_dim3A_788 = vector.shape_cast %min3A_787 : vector<8x3x4x256xf32> to vector<8x3x1x4x256xf32>
    %max3A_789 = arith.maximumf %squeeze3A_784, %squeeze3A_786 : vector<8x3x4x256xf32>
    %broadcast_in_dim3A_790 = vector.shape_cast %max3A_789 : vector<8x3x4x256xf32> to vector<8x3x1x4x256xf32>
    %concatenate3A_791 = tpu.concatenate %broadcast_in_dim3A_788, %broadcast_in_dim3A_790 in 2 : vector<8x3x1x4x256xf32>, vector<8x3x1x4x256xf32> -> vector<8x3x2x4x256xf32>
    %reshape3A_792 = vector.shape_cast %concatenate3A_791 : vector<8x3x2x4x256xf32> to vector<8x24x256xf32>
    %concatenate3A_793 = tpu.concatenate %slice3A_779, %reshape3A_792, %slice3A_780 in 1 : vector<8x4x256xf32>, vector<8x24x256xf32>, vector<8x4x256xf32> -> vector<8x32x256xf32>
    %reshape3A_794 = vector.shape_cast %concatenate3A_793 : vector<8x32x256xf32> to vector<256x256xf32>
    %reshape3A_795 = vector.shape_cast %reshape3A_794 : vector<256x256xf32> to vector<8x32x256xf32>
    %slice3A_796 = vector.extract_strided_slice %reshape3A_795 {offsets = [0, 0, 0], sizes = [8, 2, 256], strides = [1, 1, 1]} : vector<8x32x256xf32> to vector<8x2x256xf32>
    %slice3A_797 = vector.extract_strided_slice %reshape3A_795 {offsets = [0, 30, 0], sizes = [8, 2, 256], strides = [1, 1, 1]} : vector<8x32x256xf32> to vector<8x2x256xf32>
    %slice3A_798 = vector.extract_strided_slice %reshape3A_795 {offsets = [0, 2, 0], sizes = [8, 28, 256], strides = [1, 1, 1]} : vector<8x32x256xf32> to vector<8x28x256xf32>
    %reshape3A_799 = vector.shape_cast %slice3A_798 : vector<8x28x256xf32> to vector<8x7x2x2x256xf32>
    %slice3A_800 = vector.extract_strided_slice %reshape3A_799 {offsets = [0, 0, 0, 0, 0], sizes = [8, 7, 1, 2, 256], strides = [1, 1, 1, 1, 1]} : vector<8x7x2x2x256xf32> to vector<8x7x1x2x256xf32>
    %squeeze3A_801 = vector.shape_cast %slice3A_800 : vector<8x7x1x2x256xf32> to vector<8x7x2x256xf32>
    %slice3A_802 = vector.extract_strided_slice %reshape3A_799 {offsets = [0, 0, 1, 0, 0], sizes = [8, 7, 1, 2, 256], strides = [1, 1, 1, 1, 1]} : vector<8x7x2x2x256xf32> to vector<8x7x1x2x256xf32>
    %squeeze3A_803 = vector.shape_cast %slice3A_802 : vector<8x7x1x2x256xf32> to vector<8x7x2x256xf32>
    %min3A_804 = arith.minimumf %squeeze3A_801, %squeeze3A_803 : vector<8x7x2x256xf32>
    %broadcast_in_dim3A_805 = vector.shape_cast %min3A_804 : vector<8x7x2x256xf32> to vector<8x7x1x2x256xf32>
    %max3A_806 = arith.maximumf %squeeze3A_801, %squeeze3A_803 : vector<8x7x2x256xf32>
    %broadcast_in_dim3A_807 = vector.shape_cast %max3A_806 : vector<8x7x2x256xf32> to vector<8x7x1x2x256xf32>
    %concatenate3A_808 = tpu.concatenate %broadcast_in_dim3A_805, %broadcast_in_dim3A_807 in 2 : vector<8x7x1x2x256xf32>, vector<8x7x1x2x256xf32> -> vector<8x7x2x2x256xf32>
    %reshape3A_809 = vector.shape_cast %concatenate3A_808 : vector<8x7x2x2x256xf32> to vector<8x28x256xf32>
    %concatenate3A_810 = tpu.concatenate %slice3A_796, %reshape3A_809, %slice3A_797 in 1 : vector<8x2x256xf32>, vector<8x28x256xf32>, vector<8x2x256xf32> -> vector<8x32x256xf32>
    %reshape3A_811 = vector.shape_cast %concatenate3A_810 : vector<8x32x256xf32> to vector<256x256xf32>
    %reshape3A_812 = vector.shape_cast %reshape3A_811 : vector<256x256xf32> to vector<8x32x256xf32>
    %slice3A_813 = vector.extract_strided_slice %reshape3A_812 {offsets = [0, 0, 0], sizes = [8, 1, 256], strides = [1, 1, 1]} : vector<8x32x256xf32> to vector<8x1x256xf32>
    %slice3A_814 = vector.extract_strided_slice %reshape3A_812 {offsets = [0, 31, 0], sizes = [8, 1, 256], strides = [1, 1, 1]} : vector<8x32x256xf32> to vector<8x1x256xf32>
    %slice3A_815 = vector.extract_strided_slice %reshape3A_812 {offsets = [0, 1, 0], sizes = [8, 30, 256], strides = [1, 1, 1]} : vector<8x32x256xf32> to vector<8x30x256xf32>
    %reshape3A_816 = vector.shape_cast %slice3A_815 : vector<8x30x256xf32> to vector<8x15x2x1x256xf32>
    %slice3A_817 = vector.extract_strided_slice %reshape3A_816 {offsets = [0, 0, 0, 0, 0], sizes = [8, 15, 1, 1, 256], strides = [1, 1, 1, 1, 1]} : vector<8x15x2x1x256xf32> to vector<8x15x1x1x256xf32>
    %squeeze3A_818 = vector.shape_cast %slice3A_817 : vector<8x15x1x1x256xf32> to vector<8x15x1x256xf32>
    %slice3A_819 = vector.extract_strided_slice %reshape3A_816 {offsets = [0, 0, 1, 0, 0], sizes = [8, 15, 1, 1, 256], strides = [1, 1, 1, 1, 1]} : vector<8x15x2x1x256xf32> to vector<8x15x1x1x256xf32>
    %squeeze3A_820 = vector.shape_cast %slice3A_819 : vector<8x15x1x1x256xf32> to vector<8x15x1x256xf32>
    %min3A_821 = arith.minimumf %squeeze3A_818, %squeeze3A_820 : vector<8x15x1x256xf32>
    %broadcast_in_dim3A_822 = vector.shape_cast %min3A_821 : vector<8x15x1x256xf32> to vector<8x15x1x1x256xf32>
    %max3A_823 = arith.maximumf %squeeze3A_818, %squeeze3A_820 : vector<8x15x1x256xf32>
    %broadcast_in_dim3A_824 = vector.shape_cast %max3A_823 : vector<8x15x1x256xf32> to vector<8x15x1x1x256xf32>
    %concatenate3A_825 = tpu.concatenate %broadcast_in_dim3A_822, %broadcast_in_dim3A_824 in 2 : vector<8x15x1x1x256xf32>, vector<8x15x1x1x256xf32> -> vector<8x15x2x1x256xf32>
    %reshape3A_826 = vector.shape_cast %concatenate3A_825 : vector<8x15x2x1x256xf32> to vector<8x30x256xf32>
    %concatenate3A_827 = tpu.concatenate %slice3A_813, %reshape3A_826, %slice3A_814 in 1 : vector<8x1x256xf32>, vector<8x30x256xf32>, vector<8x1x256xf32> -> vector<8x32x256xf32>
    %reshape3A_828 = vector.shape_cast %concatenate3A_827 : vector<8x32x256xf32> to vector<256x256xf32>
    %reshape3A_829 = vector.shape_cast %reshape3A_828 : vector<256x256xf32> to vector<4x2x32x256xf32>
    %slice3A_830 = vector.extract_strided_slice %reshape3A_829 {offsets = [0, 0, 0, 0], sizes = [4, 1, 32, 256], strides = [1, 1, 1, 1]} : vector<4x2x32x256xf32> to vector<4x1x32x256xf32>
    %squeeze3A_831 = vector.shape_cast %slice3A_830 : vector<4x1x32x256xf32> to vector<4x32x256xf32>
    %slice3A_832 = vector.extract_strided_slice %reshape3A_829 {offsets = [0, 1, 0, 0], sizes = [4, 1, 32, 256], strides = [1, 1, 1, 1]} : vector<4x2x32x256xf32> to vector<4x1x32x256xf32>
    %squeeze3A_833 = vector.shape_cast %slice3A_832 : vector<4x1x32x256xf32> to vector<4x32x256xf32>
    %min3A_834 = arith.minimumf %squeeze3A_831, %squeeze3A_833 : vector<4x32x256xf32>
    %broadcast_in_dim3A_835 = vector.shape_cast %min3A_834 : vector<4x32x256xf32> to vector<4x1x32x256xf32>
    %max3A_836 = arith.maximumf %squeeze3A_831, %squeeze3A_833 : vector<4x32x256xf32>
    %broadcast_in_dim3A_837 = vector.shape_cast %max3A_836 : vector<4x32x256xf32> to vector<4x1x32x256xf32>
    %concatenate3A_838 = tpu.concatenate %broadcast_in_dim3A_835, %broadcast_in_dim3A_837 in 1 : vector<4x1x32x256xf32>, vector<4x1x32x256xf32> -> vector<4x2x32x256xf32>
    %reshape3A_839 = vector.shape_cast %concatenate3A_838 : vector<4x2x32x256xf32> to vector<256x256xf32>
    %reshape3A_840 = vector.shape_cast %reshape3A_839 : vector<256x256xf32> to vector<4x64x256xf32>
    %slice3A_841 = vector.extract_strided_slice %reshape3A_840 {offsets = [0, 0, 0], sizes = [4, 16, 256], strides = [1, 1, 1]} : vector<4x64x256xf32> to vector<4x16x256xf32>
    %slice3A_842 = vector.extract_strided_slice %reshape3A_840 {offsets = [0, 48, 0], sizes = [4, 16, 256], strides = [1, 1, 1]} : vector<4x64x256xf32> to vector<4x16x256xf32>
    %slice3A_843 = vector.extract_strided_slice %reshape3A_840 {offsets = [0, 16, 0], sizes = [4, 32, 256], strides = [1, 1, 1]} : vector<4x64x256xf32> to vector<4x32x256xf32>
    %reshape3A_844 = vector.shape_cast %slice3A_843 : vector<4x32x256xf32> to vector<4x1x2x16x256xf32>
    %slice3A_845 = vector.extract_strided_slice %reshape3A_844 {offsets = [0, 0, 0, 0, 0], sizes = [4, 1, 1, 16, 256], strides = [1, 1, 1, 1, 1]} : vector<4x1x2x16x256xf32> to vector<4x1x1x16x256xf32>
    %squeeze3A_846 = vector.shape_cast %slice3A_845 : vector<4x1x1x16x256xf32> to vector<4x1x16x256xf32>
    %slice3A_847 = vector.extract_strided_slice %reshape3A_844 {offsets = [0, 0, 1, 0, 0], sizes = [4, 1, 1, 16, 256], strides = [1, 1, 1, 1, 1]} : vector<4x1x2x16x256xf32> to vector<4x1x1x16x256xf32>
    %squeeze3A_848 = vector.shape_cast %slice3A_847 : vector<4x1x1x16x256xf32> to vector<4x1x16x256xf32>
    %min3A_849 = arith.minimumf %squeeze3A_846, %squeeze3A_848 : vector<4x1x16x256xf32>
    %broadcast_in_dim3A_850 = vector.shape_cast %min3A_849 : vector<4x1x16x256xf32> to vector<4x1x1x16x256xf32>
    %max3A_851 = arith.maximumf %squeeze3A_846, %squeeze3A_848 : vector<4x1x16x256xf32>
    %broadcast_in_dim3A_852 = vector.shape_cast %max3A_851 : vector<4x1x16x256xf32> to vector<4x1x1x16x256xf32>
    %concatenate3A_853 = tpu.concatenate %broadcast_in_dim3A_850, %broadcast_in_dim3A_852 in 2 : vector<4x1x1x16x256xf32>, vector<4x1x1x16x256xf32> -> vector<4x1x2x16x256xf32>
    %reshape3A_854 = vector.shape_cast %concatenate3A_853 : vector<4x1x2x16x256xf32> to vector<4x32x256xf32>
    %concatenate3A_855 = tpu.concatenate %slice3A_841, %reshape3A_854, %slice3A_842 in 1 : vector<4x16x256xf32>, vector<4x32x256xf32>, vector<4x16x256xf32> -> vector<4x64x256xf32>
    %reshape3A_856 = vector.shape_cast %concatenate3A_855 : vector<4x64x256xf32> to vector<256x256xf32>
    %reshape3A_857 = vector.shape_cast %reshape3A_856 : vector<256x256xf32> to vector<4x64x256xf32>
    %slice3A_858 = vector.extract_strided_slice %reshape3A_857 {offsets = [0, 0, 0], sizes = [4, 8, 256], strides = [1, 1, 1]} : vector<4x64x256xf32> to vector<4x8x256xf32>
    %slice3A_859 = vector.extract_strided_slice %reshape3A_857 {offsets = [0, 56, 0], sizes = [4, 8, 256], strides = [1, 1, 1]} : vector<4x64x256xf32> to vector<4x8x256xf32>
    %slice3A_860 = vector.extract_strided_slice %reshape3A_857 {offsets = [0, 8, 0], sizes = [4, 48, 256], strides = [1, 1, 1]} : vector<4x64x256xf32> to vector<4x48x256xf32>
    %reshape3A_861 = vector.shape_cast %slice3A_860 : vector<4x48x256xf32> to vector<4x3x2x8x256xf32>
    %slice3A_862 = vector.extract_strided_slice %reshape3A_861 {offsets = [0, 0, 0, 0, 0], sizes = [4, 3, 1, 8, 256], strides = [1, 1, 1, 1, 1]} : vector<4x3x2x8x256xf32> to vector<4x3x1x8x256xf32>
    %squeeze3A_863 = vector.shape_cast %slice3A_862 : vector<4x3x1x8x256xf32> to vector<4x3x8x256xf32>
    %slice3A_864 = vector.extract_strided_slice %reshape3A_861 {offsets = [0, 0, 1, 0, 0], sizes = [4, 3, 1, 8, 256], strides = [1, 1, 1, 1, 1]} : vector<4x3x2x8x256xf32> to vector<4x3x1x8x256xf32>
    %squeeze3A_865 = vector.shape_cast %slice3A_864 : vector<4x3x1x8x256xf32> to vector<4x3x8x256xf32>
    %min3A_866 = arith.minimumf %squeeze3A_863, %squeeze3A_865 : vector<4x3x8x256xf32>
    %broadcast_in_dim3A_867 = vector.shape_cast %min3A_866 : vector<4x3x8x256xf32> to vector<4x3x1x8x256xf32>
    %max3A_868 = arith.maximumf %squeeze3A_863, %squeeze3A_865 : vector<4x3x8x256xf32>
    %broadcast_in_dim3A_869 = vector.shape_cast %max3A_868 : vector<4x3x8x256xf32> to vector<4x3x1x8x256xf32>
    %concatenate3A_870 = tpu.concatenate %broadcast_in_dim3A_867, %broadcast_in_dim3A_869 in 2 : vector<4x3x1x8x256xf32>, vector<4x3x1x8x256xf32> -> vector<4x3x2x8x256xf32>
    %reshape3A_871 = vector.shape_cast %concatenate3A_870 : vector<4x3x2x8x256xf32> to vector<4x48x256xf32>
    %concatenate3A_872 = tpu.concatenate %slice3A_858, %reshape3A_871, %slice3A_859 in 1 : vector<4x8x256xf32>, vector<4x48x256xf32>, vector<4x8x256xf32> -> vector<4x64x256xf32>
    %reshape3A_873 = vector.shape_cast %concatenate3A_872 : vector<4x64x256xf32> to vector<256x256xf32>
    %reshape3A_874 = vector.shape_cast %reshape3A_873 : vector<256x256xf32> to vector<4x64x256xf32>
    %slice3A_875 = vector.extract_strided_slice %reshape3A_874 {offsets = [0, 0, 0], sizes = [4, 4, 256], strides = [1, 1, 1]} : vector<4x64x256xf32> to vector<4x4x256xf32>
    %slice3A_876 = vector.extract_strided_slice %reshape3A_874 {offsets = [0, 60, 0], sizes = [4, 4, 256], strides = [1, 1, 1]} : vector<4x64x256xf32> to vector<4x4x256xf32>
    %slice3A_877 = vector.extract_strided_slice %reshape3A_874 {offsets = [0, 4, 0], sizes = [4, 56, 256], strides = [1, 1, 1]} : vector<4x64x256xf32> to vector<4x56x256xf32>
    %reshape3A_878 = vector.shape_cast %slice3A_877 : vector<4x56x256xf32> to vector<4x7x2x4x256xf32>
    %slice3A_879 = vector.extract_strided_slice %reshape3A_878 {offsets = [0, 0, 0, 0, 0], sizes = [4, 7, 1, 4, 256], strides = [1, 1, 1, 1, 1]} : vector<4x7x2x4x256xf32> to vector<4x7x1x4x256xf32>
    %squeeze3A_880 = vector.shape_cast %slice3A_879 : vector<4x7x1x4x256xf32> to vector<4x7x4x256xf32>
    %slice3A_881 = vector.extract_strided_slice %reshape3A_878 {offsets = [0, 0, 1, 0, 0], sizes = [4, 7, 1, 4, 256], strides = [1, 1, 1, 1, 1]} : vector<4x7x2x4x256xf32> to vector<4x7x1x4x256xf32>
    %squeeze3A_882 = vector.shape_cast %slice3A_881 : vector<4x7x1x4x256xf32> to vector<4x7x4x256xf32>
    %min3A_883 = arith.minimumf %squeeze3A_880, %squeeze3A_882 : vector<4x7x4x256xf32>
    %broadcast_in_dim3A_884 = vector.shape_cast %min3A_883 : vector<4x7x4x256xf32> to vector<4x7x1x4x256xf32>
    %max3A_885 = arith.maximumf %squeeze3A_880, %squeeze3A_882 : vector<4x7x4x256xf32>
    %broadcast_in_dim3A_886 = vector.shape_cast %max3A_885 : vector<4x7x4x256xf32> to vector<4x7x1x4x256xf32>
    %concatenate3A_887 = tpu.concatenate %broadcast_in_dim3A_884, %broadcast_in_dim3A_886 in 2 : vector<4x7x1x4x256xf32>, vector<4x7x1x4x256xf32> -> vector<4x7x2x4x256xf32>
    %reshape3A_888 = vector.shape_cast %concatenate3A_887 : vector<4x7x2x4x256xf32> to vector<4x56x256xf32>
    %concatenate3A_889 = tpu.concatenate %slice3A_875, %reshape3A_888, %slice3A_876 in 1 : vector<4x4x256xf32>, vector<4x56x256xf32>, vector<4x4x256xf32> -> vector<4x64x256xf32>
    %reshape3A_890 = vector.shape_cast %concatenate3A_889 : vector<4x64x256xf32> to vector<256x256xf32>
    %reshape3A_891 = vector.shape_cast %reshape3A_890 : vector<256x256xf32> to vector<4x64x256xf32>
    %slice3A_892 = vector.extract_strided_slice %reshape3A_891 {offsets = [0, 0, 0], sizes = [4, 2, 256], strides = [1, 1, 1]} : vector<4x64x256xf32> to vector<4x2x256xf32>
    %slice3A_893 = vector.extract_strided_slice %reshape3A_891 {offsets = [0, 62, 0], sizes = [4, 2, 256], strides = [1, 1, 1]} : vector<4x64x256xf32> to vector<4x2x256xf32>
    %slice3A_894 = vector.extract_strided_slice %reshape3A_891 {offsets = [0, 2, 0], sizes = [4, 60, 256], strides = [1, 1, 1]} : vector<4x64x256xf32> to vector<4x60x256xf32>
    %reshape3A_895 = vector.shape_cast %slice3A_894 : vector<4x60x256xf32> to vector<4x15x2x2x256xf32>
    %slice3A_896 = vector.extract_strided_slice %reshape3A_895 {offsets = [0, 0, 0, 0, 0], sizes = [4, 15, 1, 2, 256], strides = [1, 1, 1, 1, 1]} : vector<4x15x2x2x256xf32> to vector<4x15x1x2x256xf32>
    %squeeze3A_897 = vector.shape_cast %slice3A_896 : vector<4x15x1x2x256xf32> to vector<4x15x2x256xf32>
    %slice3A_898 = vector.extract_strided_slice %reshape3A_895 {offsets = [0, 0, 1, 0, 0], sizes = [4, 15, 1, 2, 256], strides = [1, 1, 1, 1, 1]} : vector<4x15x2x2x256xf32> to vector<4x15x1x2x256xf32>
    %squeeze3A_899 = vector.shape_cast %slice3A_898 : vector<4x15x1x2x256xf32> to vector<4x15x2x256xf32>
    %min3A_900 = arith.minimumf %squeeze3A_897, %squeeze3A_899 : vector<4x15x2x256xf32>
    %broadcast_in_dim3A_901 = vector.shape_cast %min3A_900 : vector<4x15x2x256xf32> to vector<4x15x1x2x256xf32>
    %max3A_902 = arith.maximumf %squeeze3A_897, %squeeze3A_899 : vector<4x15x2x256xf32>
    %broadcast_in_dim3A_903 = vector.shape_cast %max3A_902 : vector<4x15x2x256xf32> to vector<4x15x1x2x256xf32>
    %concatenate3A_904 = tpu.concatenate %broadcast_in_dim3A_901, %broadcast_in_dim3A_903 in 2 : vector<4x15x1x2x256xf32>, vector<4x15x1x2x256xf32> -> vector<4x15x2x2x256xf32>
    %reshape3A_905 = vector.shape_cast %concatenate3A_904 : vector<4x15x2x2x256xf32> to vector<4x60x256xf32>
    %concatenate3A_906 = tpu.concatenate %slice3A_892, %reshape3A_905, %slice3A_893 in 1 : vector<4x2x256xf32>, vector<4x60x256xf32>, vector<4x2x256xf32> -> vector<4x64x256xf32>
    %reshape3A_907 = vector.shape_cast %concatenate3A_906 : vector<4x64x256xf32> to vector<256x256xf32>
    %reshape3A_908 = vector.shape_cast %reshape3A_907 : vector<256x256xf32> to vector<4x64x256xf32>
    %slice3A_909 = vector.extract_strided_slice %reshape3A_908 {offsets = [0, 0, 0], sizes = [4, 1, 256], strides = [1, 1, 1]} : vector<4x64x256xf32> to vector<4x1x256xf32>
    %slice3A_910 = vector.extract_strided_slice %reshape3A_908 {offsets = [0, 63, 0], sizes = [4, 1, 256], strides = [1, 1, 1]} : vector<4x64x256xf32> to vector<4x1x256xf32>
    %slice3A_911 = vector.extract_strided_slice %reshape3A_908 {offsets = [0, 1, 0], sizes = [4, 62, 256], strides = [1, 1, 1]} : vector<4x64x256xf32> to vector<4x62x256xf32>
    %reshape3A_912 = vector.shape_cast %slice3A_911 : vector<4x62x256xf32> to vector<4x31x2x1x256xf32>
    %slice3A_913 = vector.extract_strided_slice %reshape3A_912 {offsets = [0, 0, 0, 0, 0], sizes = [4, 31, 1, 1, 256], strides = [1, 1, 1, 1, 1]} : vector<4x31x2x1x256xf32> to vector<4x31x1x1x256xf32>
    %squeeze3A_914 = vector.shape_cast %slice3A_913 : vector<4x31x1x1x256xf32> to vector<4x31x1x256xf32>
    %slice3A_915 = vector.extract_strided_slice %reshape3A_912 {offsets = [0, 0, 1, 0, 0], sizes = [4, 31, 1, 1, 256], strides = [1, 1, 1, 1, 1]} : vector<4x31x2x1x256xf32> to vector<4x31x1x1x256xf32>
    %squeeze3A_916 = vector.shape_cast %slice3A_915 : vector<4x31x1x1x256xf32> to vector<4x31x1x256xf32>
    %min3A_917 = arith.minimumf %squeeze3A_914, %squeeze3A_916 : vector<4x31x1x256xf32>
    %broadcast_in_dim3A_918 = vector.shape_cast %min3A_917 : vector<4x31x1x256xf32> to vector<4x31x1x1x256xf32>
    %max3A_919 = arith.maximumf %squeeze3A_914, %squeeze3A_916 : vector<4x31x1x256xf32>
    %broadcast_in_dim3A_920 = vector.shape_cast %max3A_919 : vector<4x31x1x256xf32> to vector<4x31x1x1x256xf32>
    %concatenate3A_921 = tpu.concatenate %broadcast_in_dim3A_918, %broadcast_in_dim3A_920 in 2 : vector<4x31x1x1x256xf32>, vector<4x31x1x1x256xf32> -> vector<4x31x2x1x256xf32>
    %reshape3A_922 = vector.shape_cast %concatenate3A_921 : vector<4x31x2x1x256xf32> to vector<4x62x256xf32>
    %concatenate3A_923 = tpu.concatenate %slice3A_909, %reshape3A_922, %slice3A_910 in 1 : vector<4x1x256xf32>, vector<4x62x256xf32>, vector<4x1x256xf32> -> vector<4x64x256xf32>
    %reshape3A_924 = vector.shape_cast %concatenate3A_923 : vector<4x64x256xf32> to vector<256x256xf32>
    %reshape3A_925 = vector.shape_cast %reshape3A_924 : vector<256x256xf32> to vector<2x2x64x256xf32>
    %slice3A_926 = vector.extract_strided_slice %reshape3A_925 {offsets = [0, 0, 0, 0], sizes = [2, 1, 64, 256], strides = [1, 1, 1, 1]} : vector<2x2x64x256xf32> to vector<2x1x64x256xf32>
    %squeeze3A_927 = vector.shape_cast %slice3A_926 : vector<2x1x64x256xf32> to vector<2x64x256xf32>
    %slice3A_928 = vector.extract_strided_slice %reshape3A_925 {offsets = [0, 1, 0, 0], sizes = [2, 1, 64, 256], strides = [1, 1, 1, 1]} : vector<2x2x64x256xf32> to vector<2x1x64x256xf32>
    %squeeze3A_929 = vector.shape_cast %slice3A_928 : vector<2x1x64x256xf32> to vector<2x64x256xf32>
    %min3A_930 = arith.minimumf %squeeze3A_927, %squeeze3A_929 : vector<2x64x256xf32>
    %broadcast_in_dim3A_931 = vector.shape_cast %min3A_930 : vector<2x64x256xf32> to vector<2x1x64x256xf32>
    %max3A_932 = arith.maximumf %squeeze3A_927, %squeeze3A_929 : vector<2x64x256xf32>
    %broadcast_in_dim3A_933 = vector.shape_cast %max3A_932 : vector<2x64x256xf32> to vector<2x1x64x256xf32>
    %concatenate3A_934 = tpu.concatenate %broadcast_in_dim3A_931, %broadcast_in_dim3A_933 in 1 : vector<2x1x64x256xf32>, vector<2x1x64x256xf32> -> vector<2x2x64x256xf32>
    %reshape3A_935 = vector.shape_cast %concatenate3A_934 : vector<2x2x64x256xf32> to vector<256x256xf32>
    %reshape3A_936 = vector.shape_cast %reshape3A_935 : vector<256x256xf32> to vector<2x128x256xf32>
    %slice3A_937 = vector.extract_strided_slice %reshape3A_936 {offsets = [0, 0, 0], sizes = [2, 32, 256], strides = [1, 1, 1]} : vector<2x128x256xf32> to vector<2x32x256xf32>
    %slice3A_938 = vector.extract_strided_slice %reshape3A_936 {offsets = [0, 96, 0], sizes = [2, 32, 256], strides = [1, 1, 1]} : vector<2x128x256xf32> to vector<2x32x256xf32>
    %slice3A_939 = vector.extract_strided_slice %reshape3A_936 {offsets = [0, 32, 0], sizes = [2, 64, 256], strides = [1, 1, 1]} : vector<2x128x256xf32> to vector<2x64x256xf32>
    %reshape3A_940 = vector.shape_cast %slice3A_939 : vector<2x64x256xf32> to vector<2x1x2x32x256xf32>
    %slice3A_941 = vector.extract_strided_slice %reshape3A_940 {offsets = [0, 0, 0, 0, 0], sizes = [2, 1, 1, 32, 256], strides = [1, 1, 1, 1, 1]} : vector<2x1x2x32x256xf32> to vector<2x1x1x32x256xf32>
    %squeeze3A_942 = vector.shape_cast %slice3A_941 : vector<2x1x1x32x256xf32> to vector<2x1x32x256xf32>
    %slice3A_943 = vector.extract_strided_slice %reshape3A_940 {offsets = [0, 0, 1, 0, 0], sizes = [2, 1, 1, 32, 256], strides = [1, 1, 1, 1, 1]} : vector<2x1x2x32x256xf32> to vector<2x1x1x32x256xf32>
    %squeeze3A_944 = vector.shape_cast %slice3A_943 : vector<2x1x1x32x256xf32> to vector<2x1x32x256xf32>
    %min3A_945 = arith.minimumf %squeeze3A_942, %squeeze3A_944 : vector<2x1x32x256xf32>
    %broadcast_in_dim3A_946 = vector.shape_cast %min3A_945 : vector<2x1x32x256xf32> to vector<2x1x1x32x256xf32>
    %max3A_947 = arith.maximumf %squeeze3A_942, %squeeze3A_944 : vector<2x1x32x256xf32>
    %broadcast_in_dim3A_948 = vector.shape_cast %max3A_947 : vector<2x1x32x256xf32> to vector<2x1x1x32x256xf32>
    %concatenate3A_949 = tpu.concatenate %broadcast_in_dim3A_946, %broadcast_in_dim3A_948 in 2 : vector<2x1x1x32x256xf32>, vector<2x1x1x32x256xf32> -> vector<2x1x2x32x256xf32>
    %reshape3A_950 = vector.shape_cast %concatenate3A_949 : vector<2x1x2x32x256xf32> to vector<2x64x256xf32>
    %concatenate3A_951 = tpu.concatenate %slice3A_937, %reshape3A_950, %slice3A_938 in 1 : vector<2x32x256xf32>, vector<2x64x256xf32>, vector<2x32x256xf32> -> vector<2x128x256xf32>
    %reshape3A_952 = vector.shape_cast %concatenate3A_951 : vector<2x128x256xf32> to vector<256x256xf32>
    %reshape3A_953 = vector.shape_cast %reshape3A_952 : vector<256x256xf32> to vector<2x128x256xf32>
    %slice3A_954 = vector.extract_strided_slice %reshape3A_953 {offsets = [0, 0, 0], sizes = [2, 16, 256], strides = [1, 1, 1]} : vector<2x128x256xf32> to vector<2x16x256xf32>
    %slice3A_955 = vector.extract_strided_slice %reshape3A_953 {offsets = [0, 112, 0], sizes = [2, 16, 256], strides = [1, 1, 1]} : vector<2x128x256xf32> to vector<2x16x256xf32>
    %slice3A_956 = vector.extract_strided_slice %reshape3A_953 {offsets = [0, 16, 0], sizes = [2, 96, 256], strides = [1, 1, 1]} : vector<2x128x256xf32> to vector<2x96x256xf32>
    %reshape3A_957 = vector.shape_cast %slice3A_956 : vector<2x96x256xf32> to vector<2x3x2x16x256xf32>
    %slice3A_958 = vector.extract_strided_slice %reshape3A_957 {offsets = [0, 0, 0, 0, 0], sizes = [2, 3, 1, 16, 256], strides = [1, 1, 1, 1, 1]} : vector<2x3x2x16x256xf32> to vector<2x3x1x16x256xf32>
    %squeeze3A_959 = vector.shape_cast %slice3A_958 : vector<2x3x1x16x256xf32> to vector<2x3x16x256xf32>
    %slice3A_960 = vector.extract_strided_slice %reshape3A_957 {offsets = [0, 0, 1, 0, 0], sizes = [2, 3, 1, 16, 256], strides = [1, 1, 1, 1, 1]} : vector<2x3x2x16x256xf32> to vector<2x3x1x16x256xf32>
    %squeeze3A_961 = vector.shape_cast %slice3A_960 : vector<2x3x1x16x256xf32> to vector<2x3x16x256xf32>
    %min3A_962 = arith.minimumf %squeeze3A_959, %squeeze3A_961 : vector<2x3x16x256xf32>
    %broadcast_in_dim3A_963 = vector.shape_cast %min3A_962 : vector<2x3x16x256xf32> to vector<2x3x1x16x256xf32>
    %max3A_964 = arith.maximumf %squeeze3A_959, %squeeze3A_961 : vector<2x3x16x256xf32>
    %broadcast_in_dim3A_965 = vector.shape_cast %max3A_964 : vector<2x3x16x256xf32> to vector<2x3x1x16x256xf32>
    %concatenate3A_966 = tpu.concatenate %broadcast_in_dim3A_963, %broadcast_in_dim3A_965 in 2 : vector<2x3x1x16x256xf32>, vector<2x3x1x16x256xf32> -> vector<2x3x2x16x256xf32>
    %reshape3A_967 = vector.shape_cast %concatenate3A_966 : vector<2x3x2x16x256xf32> to vector<2x96x256xf32>
    %concatenate3A_968 = tpu.concatenate %slice3A_954, %reshape3A_967, %slice3A_955 in 1 : vector<2x16x256xf32>, vector<2x96x256xf32>, vector<2x16x256xf32> -> vector<2x128x256xf32>
    %reshape3A_969 = vector.shape_cast %concatenate3A_968 : vector<2x128x256xf32> to vector<256x256xf32>
    %reshape3A_970 = vector.shape_cast %reshape3A_969 : vector<256x256xf32> to vector<2x128x256xf32>
    %slice3A_971 = vector.extract_strided_slice %reshape3A_970 {offsets = [0, 0, 0], sizes = [2, 8, 256], strides = [1, 1, 1]} : vector<2x128x256xf32> to vector<2x8x256xf32>
    %slice3A_972 = vector.extract_strided_slice %reshape3A_970 {offsets = [0, 120, 0], sizes = [2, 8, 256], strides = [1, 1, 1]} : vector<2x128x256xf32> to vector<2x8x256xf32>
    %slice3A_973 = vector.extract_strided_slice %reshape3A_970 {offsets = [0, 8, 0], sizes = [2, 112, 256], strides = [1, 1, 1]} : vector<2x128x256xf32> to vector<2x112x256xf32>
    %reshape3A_974 = vector.shape_cast %slice3A_973 : vector<2x112x256xf32> to vector<2x7x2x8x256xf32>
    %slice3A_975 = vector.extract_strided_slice %reshape3A_974 {offsets = [0, 0, 0, 0, 0], sizes = [2, 7, 1, 8, 256], strides = [1, 1, 1, 1, 1]} : vector<2x7x2x8x256xf32> to vector<2x7x1x8x256xf32>
    %squeeze3A_976 = vector.shape_cast %slice3A_975 : vector<2x7x1x8x256xf32> to vector<2x7x8x256xf32>
    %slice3A_977 = vector.extract_strided_slice %reshape3A_974 {offsets = [0, 0, 1, 0, 0], sizes = [2, 7, 1, 8, 256], strides = [1, 1, 1, 1, 1]} : vector<2x7x2x8x256xf32> to vector<2x7x1x8x256xf32>
    %squeeze3A_978 = vector.shape_cast %slice3A_977 : vector<2x7x1x8x256xf32> to vector<2x7x8x256xf32>
    %min3A_979 = arith.minimumf %squeeze3A_976, %squeeze3A_978 : vector<2x7x8x256xf32>
    %broadcast_in_dim3A_980 = vector.shape_cast %min3A_979 : vector<2x7x8x256xf32> to vector<2x7x1x8x256xf32>
    %max3A_981 = arith.maximumf %squeeze3A_976, %squeeze3A_978 : vector<2x7x8x256xf32>
    %broadcast_in_dim3A_982 = vector.shape_cast %max3A_981 : vector<2x7x8x256xf32> to vector<2x7x1x8x256xf32>
    %concatenate3A_983 = tpu.concatenate %broadcast_in_dim3A_980, %broadcast_in_dim3A_982 in 2 : vector<2x7x1x8x256xf32>, vector<2x7x1x8x256xf32> -> vector<2x7x2x8x256xf32>
    %reshape3A_984 = vector.shape_cast %concatenate3A_983 : vector<2x7x2x8x256xf32> to vector<2x112x256xf32>
    %concatenate3A_985 = tpu.concatenate %slice3A_971, %reshape3A_984, %slice3A_972 in 1 : vector<2x8x256xf32>, vector<2x112x256xf32>, vector<2x8x256xf32> -> vector<2x128x256xf32>
    %reshape3A_986 = vector.shape_cast %concatenate3A_985 : vector<2x128x256xf32> to vector<256x256xf32>
    %reshape3A_987 = vector.shape_cast %reshape3A_986 : vector<256x256xf32> to vector<2x128x256xf32>
    %slice3A_988 = vector.extract_strided_slice %reshape3A_987 {offsets = [0, 0, 0], sizes = [2, 4, 256], strides = [1, 1, 1]} : vector<2x128x256xf32> to vector<2x4x256xf32>
    %slice3A_989 = vector.extract_strided_slice %reshape3A_987 {offsets = [0, 124, 0], sizes = [2, 4, 256], strides = [1, 1, 1]} : vector<2x128x256xf32> to vector<2x4x256xf32>
    %slice3A_990 = vector.extract_strided_slice %reshape3A_987 {offsets = [0, 4, 0], sizes = [2, 120, 256], strides = [1, 1, 1]} : vector<2x128x256xf32> to vector<2x120x256xf32>
    %reshape3A_991 = vector.shape_cast %slice3A_990 : vector<2x120x256xf32> to vector<2x15x2x4x256xf32>
    %slice3A_992 = vector.extract_strided_slice %reshape3A_991 {offsets = [0, 0, 0, 0, 0], sizes = [2, 15, 1, 4, 256], strides = [1, 1, 1, 1, 1]} : vector<2x15x2x4x256xf32> to vector<2x15x1x4x256xf32>
    %squeeze3A_993 = vector.shape_cast %slice3A_992 : vector<2x15x1x4x256xf32> to vector<2x15x4x256xf32>
    %slice3A_994 = vector.extract_strided_slice %reshape3A_991 {offsets = [0, 0, 1, 0, 0], sizes = [2, 15, 1, 4, 256], strides = [1, 1, 1, 1, 1]} : vector<2x15x2x4x256xf32> to vector<2x15x1x4x256xf32>
    %squeeze3A_995 = vector.shape_cast %slice3A_994 : vector<2x15x1x4x256xf32> to vector<2x15x4x256xf32>
    %min3A_996 = arith.minimumf %squeeze3A_993, %squeeze3A_995 : vector<2x15x4x256xf32>
    %broadcast_in_dim3A_997 = vector.shape_cast %min3A_996 : vector<2x15x4x256xf32> to vector<2x15x1x4x256xf32>
    %max3A_998 = arith.maximumf %squeeze3A_993, %squeeze3A_995 : vector<2x15x4x256xf32>
    %broadcast_in_dim3A_999 = vector.shape_cast %max3A_998 : vector<2x15x4x256xf32> to vector<2x15x1x4x256xf32>
    %concatenate3A_1000 = tpu.concatenate %broadcast_in_dim3A_997, %broadcast_in_dim3A_999 in 2 : vector<2x15x1x4x256xf32>, vector<2x15x1x4x256xf32> -> vector<2x15x2x4x256xf32>
    %reshape3A_1001 = vector.shape_cast %concatenate3A_1000 : vector<2x15x2x4x256xf32> to vector<2x120x256xf32>
    %concatenate3A_1002 = tpu.concatenate %slice3A_988, %reshape3A_1001, %slice3A_989 in 1 : vector<2x4x256xf32>, vector<2x120x256xf32>, vector<2x4x256xf32> -> vector<2x128x256xf32>
    %reshape3A_1003 = vector.shape_cast %concatenate3A_1002 : vector<2x128x256xf32> to vector<256x256xf32>
    %reshape3A_1004 = vector.shape_cast %reshape3A_1003 : vector<256x256xf32> to vector<2x128x256xf32>
    %slice3A_1005 = vector.extract_strided_slice %reshape3A_1004 {offsets = [0, 0, 0], sizes = [2, 2, 256], strides = [1, 1, 1]} : vector<2x128x256xf32> to vector<2x2x256xf32>
    %slice3A_1006 = vector.extract_strided_slice %reshape3A_1004 {offsets = [0, 126, 0], sizes = [2, 2, 256], strides = [1, 1, 1]} : vector<2x128x256xf32> to vector<2x2x256xf32>
    %slice3A_1007 = vector.extract_strided_slice %reshape3A_1004 {offsets = [0, 2, 0], sizes = [2, 124, 256], strides = [1, 1, 1]} : vector<2x128x256xf32> to vector<2x124x256xf32>
    %reshape3A_1008 = vector.shape_cast %slice3A_1007 : vector<2x124x256xf32> to vector<2x31x2x2x256xf32>
    %slice3A_1009 = vector.extract_strided_slice %reshape3A_1008 {offsets = [0, 0, 0, 0, 0], sizes = [2, 31, 1, 2, 256], strides = [1, 1, 1, 1, 1]} : vector<2x31x2x2x256xf32> to vector<2x31x1x2x256xf32>
    %squeeze3A_1010 = vector.shape_cast %slice3A_1009 : vector<2x31x1x2x256xf32> to vector<2x31x2x256xf32>
    %slice3A_1011 = vector.extract_strided_slice %reshape3A_1008 {offsets = [0, 0, 1, 0, 0], sizes = [2, 31, 1, 2, 256], strides = [1, 1, 1, 1, 1]} : vector<2x31x2x2x256xf32> to vector<2x31x1x2x256xf32>
    %squeeze3A_1012 = vector.shape_cast %slice3A_1011 : vector<2x31x1x2x256xf32> to vector<2x31x2x256xf32>
    %min3A_1013 = arith.minimumf %squeeze3A_1010, %squeeze3A_1012 : vector<2x31x2x256xf32>
    %broadcast_in_dim3A_1014 = vector.shape_cast %min3A_1013 : vector<2x31x2x256xf32> to vector<2x31x1x2x256xf32>
    %max3A_1015 = arith.maximumf %squeeze3A_1010, %squeeze3A_1012 : vector<2x31x2x256xf32>
    %broadcast_in_dim3A_1016 = vector.shape_cast %max3A_1015 : vector<2x31x2x256xf32> to vector<2x31x1x2x256xf32>
    %concatenate3A_1017 = tpu.concatenate %broadcast_in_dim3A_1014, %broadcast_in_dim3A_1016 in 2 : vector<2x31x1x2x256xf32>, vector<2x31x1x2x256xf32> -> vector<2x31x2x2x256xf32>
    %reshape3A_1018 = vector.shape_cast %concatenate3A_1017 : vector<2x31x2x2x256xf32> to vector<2x124x256xf32>
    %concatenate3A_1019 = tpu.concatenate %slice3A_1005, %reshape3A_1018, %slice3A_1006 in 1 : vector<2x2x256xf32>, vector<2x124x256xf32>, vector<2x2x256xf32> -> vector<2x128x256xf32>
    %reshape3A_1020 = vector.shape_cast %concatenate3A_1019 : vector<2x128x256xf32> to vector<256x256xf32>
    %reshape3A_1021 = vector.shape_cast %reshape3A_1020 : vector<256x256xf32> to vector<2x128x256xf32>
    %slice3A_1022 = vector.extract_strided_slice %reshape3A_1021 {offsets = [0, 0, 0], sizes = [2, 1, 256], strides = [1, 1, 1]} : vector<2x128x256xf32> to vector<2x1x256xf32>
    %slice3A_1023 = vector.extract_strided_slice %reshape3A_1021 {offsets = [0, 127, 0], sizes = [2, 1, 256], strides = [1, 1, 1]} : vector<2x128x256xf32> to vector<2x1x256xf32>
    %slice3A_1024 = vector.extract_strided_slice %reshape3A_1021 {offsets = [0, 1, 0], sizes = [2, 126, 256], strides = [1, 1, 1]} : vector<2x128x256xf32> to vector<2x126x256xf32>
    %reshape3A_1025 = vector.shape_cast %slice3A_1024 : vector<2x126x256xf32> to vector<2x63x2x1x256xf32>
    %slice3A_1026 = vector.extract_strided_slice %reshape3A_1025 {offsets = [0, 0, 0, 0, 0], sizes = [2, 63, 1, 1, 256], strides = [1, 1, 1, 1, 1]} : vector<2x63x2x1x256xf32> to vector<2x63x1x1x256xf32>
    %squeeze3A_1027 = vector.shape_cast %slice3A_1026 : vector<2x63x1x1x256xf32> to vector<2x63x1x256xf32>
    %slice3A_1028 = vector.extract_strided_slice %reshape3A_1025 {offsets = [0, 0, 1, 0, 0], sizes = [2, 63, 1, 1, 256], strides = [1, 1, 1, 1, 1]} : vector<2x63x2x1x256xf32> to vector<2x63x1x1x256xf32>
    %squeeze3A_1029 = vector.shape_cast %slice3A_1028 : vector<2x63x1x1x256xf32> to vector<2x63x1x256xf32>
    %min3A_1030 = arith.minimumf %squeeze3A_1027, %squeeze3A_1029 : vector<2x63x1x256xf32>
    %broadcast_in_dim3A_1031 = vector.shape_cast %min3A_1030 : vector<2x63x1x256xf32> to vector<2x63x1x1x256xf32>
    %max3A_1032 = arith.maximumf %squeeze3A_1027, %squeeze3A_1029 : vector<2x63x1x256xf32>
    %broadcast_in_dim3A_1033 = vector.shape_cast %max3A_1032 : vector<2x63x1x256xf32> to vector<2x63x1x1x256xf32>
    %concatenate3A_1034 = tpu.concatenate %broadcast_in_dim3A_1031, %broadcast_in_dim3A_1033 in 2 : vector<2x63x1x1x256xf32>, vector<2x63x1x1x256xf32> -> vector<2x63x2x1x256xf32>
    %reshape3A_1035 = vector.shape_cast %concatenate3A_1034 : vector<2x63x2x1x256xf32> to vector<2x126x256xf32>
    %concatenate3A_1036 = tpu.concatenate %slice3A_1022, %reshape3A_1035, %slice3A_1023 in 1 : vector<2x1x256xf32>, vector<2x126x256xf32>, vector<2x1x256xf32> -> vector<2x128x256xf32>
    %reshape3A_1037 = vector.shape_cast %concatenate3A_1036 : vector<2x128x256xf32> to vector<256x256xf32>
    %reshape3A_1038 = vector.shape_cast %reshape3A_1037 : vector<256x256xf32> to vector<1x2x128x256xf32>
    %slice3A_1039 = vector.extract_strided_slice %reshape3A_1038 {offsets = [0, 0, 0, 0], sizes = [1, 1, 128, 256], strides = [1, 1, 1, 1]} : vector<1x2x128x256xf32> to vector<1x1x128x256xf32>
    %squeeze3A_1040 = vector.shape_cast %slice3A_1039 : vector<1x1x128x256xf32> to vector<1x128x256xf32>
    %slice3A_1041 = vector.extract_strided_slice %reshape3A_1038 {offsets = [0, 1, 0, 0], sizes = [1, 1, 128, 256], strides = [1, 1, 1, 1]} : vector<1x2x128x256xf32> to vector<1x1x128x256xf32>
    %squeeze3A_1042 = vector.shape_cast %slice3A_1041 : vector<1x1x128x256xf32> to vector<1x128x256xf32>
    %min3A_1043 = arith.minimumf %squeeze3A_1040, %squeeze3A_1042 : vector<1x128x256xf32>
    %broadcast_in_dim3A_1044 = vector.shape_cast %min3A_1043 : vector<1x128x256xf32> to vector<1x1x128x256xf32>
    %max3A_1045 = arith.maximumf %squeeze3A_1040, %squeeze3A_1042 : vector<1x128x256xf32>
    %broadcast_in_dim3A_1046 = vector.shape_cast %max3A_1045 : vector<1x128x256xf32> to vector<1x1x128x256xf32>
    %concatenate3A_1047 = tpu.concatenate %broadcast_in_dim3A_1044, %broadcast_in_dim3A_1046 in 1 : vector<1x1x128x256xf32>, vector<1x1x128x256xf32> -> vector<1x2x128x256xf32>
    %reshape3A_1048 = vector.shape_cast %concatenate3A_1047 : vector<1x2x128x256xf32> to vector<256x256xf32>
    %reshape3A_1049 = vector.shape_cast %reshape3A_1048 : vector<256x256xf32> to vector<1x256x256xf32>
    %slice3A_1050 = vector.extract_strided_slice %reshape3A_1049 {offsets = [0, 0, 0], sizes = [1, 64, 256], strides = [1, 1, 1]} : vector<1x256x256xf32> to vector<1x64x256xf32>
    %slice3A_1051 = vector.extract_strided_slice %reshape3A_1049 {offsets = [0, 192, 0], sizes = [1, 64, 256], strides = [1, 1, 1]} : vector<1x256x256xf32> to vector<1x64x256xf32>
    %slice3A_1052 = vector.extract_strided_slice %reshape3A_1049 {offsets = [0, 64, 0], sizes = [1, 128, 256], strides = [1, 1, 1]} : vector<1x256x256xf32> to vector<1x128x256xf32>
    %reshape3A_1053 = vector.shape_cast %slice3A_1052 : vector<1x128x256xf32> to vector<1x1x2x64x256xf32>
    %slice3A_1054 = vector.extract_strided_slice %reshape3A_1053 {offsets = [0, 0, 0, 0, 0], sizes = [1, 1, 1, 64, 256], strides = [1, 1, 1, 1, 1]} : vector<1x1x2x64x256xf32> to vector<1x1x1x64x256xf32>
    %squeeze3A_1055 = vector.shape_cast %slice3A_1054 : vector<1x1x1x64x256xf32> to vector<1x1x64x256xf32>
    %slice3A_1056 = vector.extract_strided_slice %reshape3A_1053 {offsets = [0, 0, 1, 0, 0], sizes = [1, 1, 1, 64, 256], strides = [1, 1, 1, 1, 1]} : vector<1x1x2x64x256xf32> to vector<1x1x1x64x256xf32>
    %squeeze3A_1057 = vector.shape_cast %slice3A_1056 : vector<1x1x1x64x256xf32> to vector<1x1x64x256xf32>
    %min3A_1058 = arith.minimumf %squeeze3A_1055, %squeeze3A_1057 : vector<1x1x64x256xf32>
    %broadcast_in_dim3A_1059 = vector.shape_cast %min3A_1058 : vector<1x1x64x256xf32> to vector<1x1x1x64x256xf32>
    %max3A_1060 = arith.maximumf %squeeze3A_1055, %squeeze3A_1057 : vector<1x1x64x256xf32>
    %broadcast_in_dim3A_1061 = vector.shape_cast %max3A_1060 : vector<1x1x64x256xf32> to vector<1x1x1x64x256xf32>
    %concatenate3A_1062 = tpu.concatenate %broadcast_in_dim3A_1059, %broadcast_in_dim3A_1061 in 2 : vector<1x1x1x64x256xf32>, vector<1x1x1x64x256xf32> -> vector<1x1x2x64x256xf32>
    %reshape3A_1063 = vector.shape_cast %concatenate3A_1062 : vector<1x1x2x64x256xf32> to vector<1x128x256xf32>
    %concatenate3A_1064 = tpu.concatenate %slice3A_1050, %reshape3A_1063, %slice3A_1051 in 1 : vector<1x64x256xf32>, vector<1x128x256xf32>, vector<1x64x256xf32> -> vector<1x256x256xf32>
    %reshape3A_1065 = vector.shape_cast %concatenate3A_1064 : vector<1x256x256xf32> to vector<256x256xf32>
    %reshape3A_1066 = vector.shape_cast %reshape3A_1065 : vector<256x256xf32> to vector<1x256x256xf32>
    %slice3A_1067 = vector.extract_strided_slice %reshape3A_1066 {offsets = [0, 0, 0], sizes = [1, 32, 256], strides = [1, 1, 1]} : vector<1x256x256xf32> to vector<1x32x256xf32>
    %slice3A_1068 = vector.extract_strided_slice %reshape3A_1066 {offsets = [0, 224, 0], sizes = [1, 32, 256], strides = [1, 1, 1]} : vector<1x256x256xf32> to vector<1x32x256xf32>
    %slice3A_1069 = vector.extract_strided_slice %reshape3A_1066 {offsets = [0, 32, 0], sizes = [1, 192, 256], strides = [1, 1, 1]} : vector<1x256x256xf32> to vector<1x192x256xf32>
    %reshape3A_1070 = vector.shape_cast %slice3A_1069 : vector<1x192x256xf32> to vector<1x3x2x32x256xf32>
    %slice3A_1071 = vector.extract_strided_slice %reshape3A_1070 {offsets = [0, 0, 0, 0, 0], sizes = [1, 3, 1, 32, 256], strides = [1, 1, 1, 1, 1]} : vector<1x3x2x32x256xf32> to vector<1x3x1x32x256xf32>
    %squeeze3A_1072 = vector.shape_cast %slice3A_1071 : vector<1x3x1x32x256xf32> to vector<1x3x32x256xf32>
    %slice3A_1073 = vector.extract_strided_slice %reshape3A_1070 {offsets = [0, 0, 1, 0, 0], sizes = [1, 3, 1, 32, 256], strides = [1, 1, 1, 1, 1]} : vector<1x3x2x32x256xf32> to vector<1x3x1x32x256xf32>
    %squeeze3A_1074 = vector.shape_cast %slice3A_1073 : vector<1x3x1x32x256xf32> to vector<1x3x32x256xf32>
    %min3A_1075 = arith.minimumf %squeeze3A_1072, %squeeze3A_1074 : vector<1x3x32x256xf32>
    %broadcast_in_dim3A_1076 = vector.shape_cast %min3A_1075 : vector<1x3x32x256xf32> to vector<1x3x1x32x256xf32>
    %max3A_1077 = arith.maximumf %squeeze3A_1072, %squeeze3A_1074 : vector<1x3x32x256xf32>
    %broadcast_in_dim3A_1078 = vector.shape_cast %max3A_1077 : vector<1x3x32x256xf32> to vector<1x3x1x32x256xf32>
    %concatenate3A_1079 = tpu.concatenate %broadcast_in_dim3A_1076, %broadcast_in_dim3A_1078 in 2 : vector<1x3x1x32x256xf32>, vector<1x3x1x32x256xf32> -> vector<1x3x2x32x256xf32>
    %reshape3A_1080 = vector.shape_cast %concatenate3A_1079 : vector<1x3x2x32x256xf32> to vector<1x192x256xf32>
    %concatenate3A_1081 = tpu.concatenate %slice3A_1067, %reshape3A_1080, %slice3A_1068 in 1 : vector<1x32x256xf32>, vector<1x192x256xf32>, vector<1x32x256xf32> -> vector<1x256x256xf32>
    %reshape3A_1082 = vector.shape_cast %concatenate3A_1081 : vector<1x256x256xf32> to vector<256x256xf32>
    %reshape3A_1083 = vector.shape_cast %reshape3A_1082 : vector<256x256xf32> to vector<1x256x256xf32>
    %slice3A_1084 = vector.extract_strided_slice %reshape3A_1083 {offsets = [0, 0, 0], sizes = [1, 16, 256], strides = [1, 1, 1]} : vector<1x256x256xf32> to vector<1x16x256xf32>
    %slice3A_1085 = vector.extract_strided_slice %reshape3A_1083 {offsets = [0, 240, 0], sizes = [1, 16, 256], strides = [1, 1, 1]} : vector<1x256x256xf32> to vector<1x16x256xf32>
    %slice3A_1086 = vector.extract_strided_slice %reshape3A_1083 {offsets = [0, 16, 0], sizes = [1, 224, 256], strides = [1, 1, 1]} : vector<1x256x256xf32> to vector<1x224x256xf32>
    %reshape3A_1087 = vector.shape_cast %slice3A_1086 : vector<1x224x256xf32> to vector<1x7x2x16x256xf32>
    %slice3A_1088 = vector.extract_strided_slice %reshape3A_1087 {offsets = [0, 0, 0, 0, 0], sizes = [1, 7, 1, 16, 256], strides = [1, 1, 1, 1, 1]} : vector<1x7x2x16x256xf32> to vector<1x7x1x16x256xf32>
    %squeeze3A_1089 = vector.shape_cast %slice3A_1088 : vector<1x7x1x16x256xf32> to vector<1x7x16x256xf32>
    %slice3A_1090 = vector.extract_strided_slice %reshape3A_1087 {offsets = [0, 0, 1, 0, 0], sizes = [1, 7, 1, 16, 256], strides = [1, 1, 1, 1, 1]} : vector<1x7x2x16x256xf32> to vector<1x7x1x16x256xf32>
    %squeeze3A_1091 = vector.shape_cast %slice3A_1090 : vector<1x7x1x16x256xf32> to vector<1x7x16x256xf32>
    %min3A_1092 = arith.minimumf %squeeze3A_1089, %squeeze3A_1091 : vector<1x7x16x256xf32>
    %broadcast_in_dim3A_1093 = vector.shape_cast %min3A_1092 : vector<1x7x16x256xf32> to vector<1x7x1x16x256xf32>
    %max3A_1094 = arith.maximumf %squeeze3A_1089, %squeeze3A_1091 : vector<1x7x16x256xf32>
    %broadcast_in_dim3A_1095 = vector.shape_cast %max3A_1094 : vector<1x7x16x256xf32> to vector<1x7x1x16x256xf32>
    %concatenate3A_1096 = tpu.concatenate %broadcast_in_dim3A_1093, %broadcast_in_dim3A_1095 in 2 : vector<1x7x1x16x256xf32>, vector<1x7x1x16x256xf32> -> vector<1x7x2x16x256xf32>
    %reshape3A_1097 = vector.shape_cast %concatenate3A_1096 : vector<1x7x2x16x256xf32> to vector<1x224x256xf32>
    %concatenate3A_1098 = tpu.concatenate %slice3A_1084, %reshape3A_1097, %slice3A_1085 in 1 : vector<1x16x256xf32>, vector<1x224x256xf32>, vector<1x16x256xf32> -> vector<1x256x256xf32>
    %reshape3A_1099 = vector.shape_cast %concatenate3A_1098 : vector<1x256x256xf32> to vector<256x256xf32>
    %reshape3A_1100 = vector.shape_cast %reshape3A_1099 : vector<256x256xf32> to vector<1x256x256xf32>
    %slice3A_1101 = vector.extract_strided_slice %reshape3A_1100 {offsets = [0, 0, 0], sizes = [1, 8, 256], strides = [1, 1, 1]} : vector<1x256x256xf32> to vector<1x8x256xf32>
    %slice3A_1102 = vector.extract_strided_slice %reshape3A_1100 {offsets = [0, 248, 0], sizes = [1, 8, 256], strides = [1, 1, 1]} : vector<1x256x256xf32> to vector<1x8x256xf32>
    %slice3A_1103 = vector.extract_strided_slice %reshape3A_1100 {offsets = [0, 8, 0], sizes = [1, 240, 256], strides = [1, 1, 1]} : vector<1x256x256xf32> to vector<1x240x256xf32>
    %reshape3A_1104 = vector.shape_cast %slice3A_1103 : vector<1x240x256xf32> to vector<1x15x2x8x256xf32>
    %slice3A_1105 = vector.extract_strided_slice %reshape3A_1104 {offsets = [0, 0, 0, 0, 0], sizes = [1, 15, 1, 8, 256], strides = [1, 1, 1, 1, 1]} : vector<1x15x2x8x256xf32> to vector<1x15x1x8x256xf32>
    %squeeze3A_1106 = vector.shape_cast %slice3A_1105 : vector<1x15x1x8x256xf32> to vector<1x15x8x256xf32>
    %slice3A_1107 = vector.extract_strided_slice %reshape3A_1104 {offsets = [0, 0, 1, 0, 0], sizes = [1, 15, 1, 8, 256], strides = [1, 1, 1, 1, 1]} : vector<1x15x2x8x256xf32> to vector<1x15x1x8x256xf32>
    %squeeze3A_1108 = vector.shape_cast %slice3A_1107 : vector<1x15x1x8x256xf32> to vector<1x15x8x256xf32>
    %min3A_1109 = arith.minimumf %squeeze3A_1106, %squeeze3A_1108 : vector<1x15x8x256xf32>
    %broadcast_in_dim3A_1110 = vector.shape_cast %min3A_1109 : vector<1x15x8x256xf32> to vector<1x15x1x8x256xf32>
    %max3A_1111 = arith.maximumf %squeeze3A_1106, %squeeze3A_1108 : vector<1x15x8x256xf32>
    %broadcast_in_dim3A_1112 = vector.shape_cast %max3A_1111 : vector<1x15x8x256xf32> to vector<1x15x1x8x256xf32>
    %concatenate3A_1113 = tpu.concatenate %broadcast_in_dim3A_1110, %broadcast_in_dim3A_1112 in 2 : vector<1x15x1x8x256xf32>, vector<1x15x1x8x256xf32> -> vector<1x15x2x8x256xf32>
    %reshape3A_1114 = vector.shape_cast %concatenate3A_1113 : vector<1x15x2x8x256xf32> to vector<1x240x256xf32>
    %concatenate3A_1115 = tpu.concatenate %slice3A_1101, %reshape3A_1114, %slice3A_1102 in 1 : vector<1x8x256xf32>, vector<1x240x256xf32>, vector<1x8x256xf32> -> vector<1x256x256xf32>
    %reshape3A_1116 = vector.shape_cast %concatenate3A_1115 : vector<1x256x256xf32> to vector<256x256xf32>
    %reshape3A_1117 = vector.shape_cast %reshape3A_1116 : vector<256x256xf32> to vector<1x256x256xf32>
    %slice3A_1118 = vector.extract_strided_slice %reshape3A_1117 {offsets = [0, 0, 0], sizes = [1, 4, 256], strides = [1, 1, 1]} : vector<1x256x256xf32> to vector<1x4x256xf32>
    %slice3A_1119 = vector.extract_strided_slice %reshape3A_1117 {offsets = [0, 252, 0], sizes = [1, 4, 256], strides = [1, 1, 1]} : vector<1x256x256xf32> to vector<1x4x256xf32>
    %slice3A_1120 = vector.extract_strided_slice %reshape3A_1117 {offsets = [0, 4, 0], sizes = [1, 248, 256], strides = [1, 1, 1]} : vector<1x256x256xf32> to vector<1x248x256xf32>
    %reshape3A_1121 = vector.shape_cast %slice3A_1120 : vector<1x248x256xf32> to vector<1x31x2x4x256xf32>
    %slice3A_1122 = vector.extract_strided_slice %reshape3A_1121 {offsets = [0, 0, 0, 0, 0], sizes = [1, 31, 1, 4, 256], strides = [1, 1, 1, 1, 1]} : vector<1x31x2x4x256xf32> to vector<1x31x1x4x256xf32>
    %squeeze3A_1123 = vector.shape_cast %slice3A_1122 : vector<1x31x1x4x256xf32> to vector<1x31x4x256xf32>
    %slice3A_1124 = vector.extract_strided_slice %reshape3A_1121 {offsets = [0, 0, 1, 0, 0], sizes = [1, 31, 1, 4, 256], strides = [1, 1, 1, 1, 1]} : vector<1x31x2x4x256xf32> to vector<1x31x1x4x256xf32>
    %squeeze3A_1125 = vector.shape_cast %slice3A_1124 : vector<1x31x1x4x256xf32> to vector<1x31x4x256xf32>
    %min3A_1126 = arith.minimumf %squeeze3A_1123, %squeeze3A_1125 : vector<1x31x4x256xf32>
    %broadcast_in_dim3A_1127 = vector.shape_cast %min3A_1126 : vector<1x31x4x256xf32> to vector<1x31x1x4x256xf32>
    %max3A_1128 = arith.maximumf %squeeze3A_1123, %squeeze3A_1125 : vector<1x31x4x256xf32>
    %broadcast_in_dim3A_1129 = vector.shape_cast %max3A_1128 : vector<1x31x4x256xf32> to vector<1x31x1x4x256xf32>
    %concatenate3A_1130 = tpu.concatenate %broadcast_in_dim3A_1127, %broadcast_in_dim3A_1129 in 2 : vector<1x31x1x4x256xf32>, vector<1x31x1x4x256xf32> -> vector<1x31x2x4x256xf32>
    %reshape3A_1131 = vector.shape_cast %concatenate3A_1130 : vector<1x31x2x4x256xf32> to vector<1x248x256xf32>
    %concatenate3A_1132 = tpu.concatenate %slice3A_1118, %reshape3A_1131, %slice3A_1119 in 1 : vector<1x4x256xf32>, vector<1x248x256xf32>, vector<1x4x256xf32> -> vector<1x256x256xf32>
    %reshape3A_1133 = vector.shape_cast %concatenate3A_1132 : vector<1x256x256xf32> to vector<256x256xf32>
    %reshape3A_1134 = vector.shape_cast %reshape3A_1133 : vector<256x256xf32> to vector<1x256x256xf32>
    %slice3A_1135 = vector.extract_strided_slice %reshape3A_1134 {offsets = [0, 0, 0], sizes = [1, 2, 256], strides = [1, 1, 1]} : vector<1x256x256xf32> to vector<1x2x256xf32>
    %slice3A_1136 = vector.extract_strided_slice %reshape3A_1134 {offsets = [0, 254, 0], sizes = [1, 2, 256], strides = [1, 1, 1]} : vector<1x256x256xf32> to vector<1x2x256xf32>
    %slice3A_1137 = vector.extract_strided_slice %reshape3A_1134 {offsets = [0, 2, 0], sizes = [1, 252, 256], strides = [1, 1, 1]} : vector<1x256x256xf32> to vector<1x252x256xf32>
    %reshape3A_1138 = vector.shape_cast %slice3A_1137 : vector<1x252x256xf32> to vector<1x63x2x2x256xf32>
    %slice3A_1139 = vector.extract_strided_slice %reshape3A_1138 {offsets = [0, 0, 0, 0, 0], sizes = [1, 63, 1, 2, 256], strides = [1, 1, 1, 1, 1]} : vector<1x63x2x2x256xf32> to vector<1x63x1x2x256xf32>
    %squeeze3A_1140 = vector.shape_cast %slice3A_1139 : vector<1x63x1x2x256xf32> to vector<1x63x2x256xf32>
    %slice3A_1141 = vector.extract_strided_slice %reshape3A_1138 {offsets = [0, 0, 1, 0, 0], sizes = [1, 63, 1, 2, 256], strides = [1, 1, 1, 1, 1]} : vector<1x63x2x2x256xf32> to vector<1x63x1x2x256xf32>
    %squeeze3A_1142 = vector.shape_cast %slice3A_1141 : vector<1x63x1x2x256xf32> to vector<1x63x2x256xf32>
    %min3A_1143 = arith.minimumf %squeeze3A_1140, %squeeze3A_1142 : vector<1x63x2x256xf32>
    %broadcast_in_dim3A_1144 = vector.shape_cast %min3A_1143 : vector<1x63x2x256xf32> to vector<1x63x1x2x256xf32>
    %max3A_1145 = arith.maximumf %squeeze3A_1140, %squeeze3A_1142 : vector<1x63x2x256xf32>
    %broadcast_in_dim3A_1146 = vector.shape_cast %max3A_1145 : vector<1x63x2x256xf32> to vector<1x63x1x2x256xf32>
    %concatenate3A_1147 = tpu.concatenate %broadcast_in_dim3A_1144, %broadcast_in_dim3A_1146 in 2 : vector<1x63x1x2x256xf32>, vector<1x63x1x2x256xf32> -> vector<1x63x2x2x256xf32>
    %reshape3A_1148 = vector.shape_cast %concatenate3A_1147 : vector<1x63x2x2x256xf32> to vector<1x252x256xf32>
    %concatenate3A_1149 = tpu.concatenate %slice3A_1135, %reshape3A_1148, %slice3A_1136 in 1 : vector<1x2x256xf32>, vector<1x252x256xf32>, vector<1x2x256xf32> -> vector<1x256x256xf32>
    %reshape3A_1150 = vector.shape_cast %concatenate3A_1149 : vector<1x256x256xf32> to vector<256x256xf32>
    %reshape3A_1151 = vector.shape_cast %reshape3A_1150 : vector<256x256xf32> to vector<1x256x256xf32>
    %slice3A_1152 = vector.extract_strided_slice %reshape3A_1151 {offsets = [0, 0, 0], sizes = [1, 1, 256], strides = [1, 1, 1]} : vector<1x256x256xf32> to vector<1x1x256xf32>
    %slice3A_1153 = vector.extract_strided_slice %reshape3A_1151 {offsets = [0, 255, 0], sizes = [1, 1, 256], strides = [1, 1, 1]} : vector<1x256x256xf32> to vector<1x1x256xf32>
    %slice3A_1154 = vector.extract_strided_slice %reshape3A_1151 {offsets = [0, 1, 0], sizes = [1, 254, 256], strides = [1, 1, 1]} : vector<1x256x256xf32> to vector<1x254x256xf32>
    %reshape3A_1155 = vector.shape_cast %slice3A_1154 : vector<1x254x256xf32> to vector<1x127x2x1x256xf32>
    %slice3A_1156 = vector.extract_strided_slice %reshape3A_1155 {offsets = [0, 0, 0, 0, 0], sizes = [1, 127, 1, 1, 256], strides = [1, 1, 1, 1, 1]} : vector<1x127x2x1x256xf32> to vector<1x127x1x1x256xf32>
    %squeeze3A_1157 = vector.shape_cast %slice3A_1156 : vector<1x127x1x1x256xf32> to vector<1x127x1x256xf32>
    %slice3A_1158 = vector.extract_strided_slice %reshape3A_1155 {offsets = [0, 0, 1, 0, 0], sizes = [1, 127, 1, 1, 256], strides = [1, 1, 1, 1, 1]} : vector<1x127x2x1x256xf32> to vector<1x127x1x1x256xf32>
    %squeeze3A_1159 = vector.shape_cast %slice3A_1158 : vector<1x127x1x1x256xf32> to vector<1x127x1x256xf32>
    %min3A_1160 = arith.minimumf %squeeze3A_1157, %squeeze3A_1159 : vector<1x127x1x256xf32>
    %broadcast_in_dim3A_1161 = vector.shape_cast %min3A_1160 : vector<1x127x1x256xf32> to vector<1x127x1x1x256xf32>
    %max3A_1162 = arith.maximumf %squeeze3A_1157, %squeeze3A_1159 : vector<1x127x1x256xf32>
    %broadcast_in_dim3A_1163 = vector.shape_cast %max3A_1162 : vector<1x127x1x256xf32> to vector<1x127x1x1x256xf32>
    %concatenate3A_1164 = tpu.concatenate %broadcast_in_dim3A_1161, %broadcast_in_dim3A_1163 in 2 : vector<1x127x1x1x256xf32>, vector<1x127x1x1x256xf32> -> vector<1x127x2x1x256xf32>
    %reshape3A_1165 = vector.shape_cast %concatenate3A_1164 : vector<1x127x2x1x256xf32> to vector<1x254x256xf32>
    %concatenate3A_1166 = tpu.concatenate %slice3A_1152, %reshape3A_1165, %slice3A_1153 in 1 : vector<1x1x256xf32>, vector<1x254x256xf32>, vector<1x1x256xf32> -> vector<1x256x256xf32>
    %reshape3A_1167 = vector.shape_cast %concatenate3A_1166 : vector<1x256x256xf32> to vector<256x256xf32>
    %swap3A = arith.constant 0 : index
    %swap3A_1168 = arith.constant 0 : index
    %swap3A_1169 = vector.load %arg4[%swap3A, %swap3A_1168] : memref<256x256xf32, #tpu.memory_space<vmem>>, vector<256x256xf32>
    tpu.vector_store %arg4[%swap3A, %swap3A_1168], %reshape3A_1167 {strides = array<i32>} : memref<256x256xf32, #tpu.memory_space<vmem>>, vector<256x256xf32>,
    return
  }
  func.func @transform_0(%arg0: i32) -> (i32, i32) {
    %c0_i32 = arith.constant 0 : i32
    %c0_i32_0 = arith.constant 0 : i32
    return %c0_i32, %arg0 : i32, i32
  }
  func.func @transform_1(%arg0: i32) -> (i32, i32) {
    %c0_i32 = arith.constant 0 : i32
    %c0_i32_0 = arith.constant 0 : i32
    return %c0_i32, %arg0 : i32, i32
  }
  func.func @transform_2(%arg0: i32) -> (i32, i32) {
    %c0_i32 = arith.constant 0 : i32
    %c0_i32_0 = arith.constant 0 : i32
    return %c0_i32, %arg0 : i32, i32
  }
  func.func @transform_3(%arg0: i32) -> (i32, i32) {
    %c0_i32 = arith.constant 0 : i32
    %c0_i32_0 = arith.constant 0 : i32
    return %c0_i32, %arg0 : i32, i32
  }
}

</mosaic_0001>

<sc_bundles>
// kernel: sparse-core-data-format-call.cloned.1.call-start
scs
called_computation_lowered:
.L_overlay_start_0:
0x0: {  	s2 =	sld [smem:$0x3FD9]  }
0x1: {  	s3 =	sld [smem:$0x3FFE];
	_ =	sdelay $0x1  }
0x2: {  	s1 =	srdreg.scid  }
0x3: {  	s0 =	sand.u32 $0x1, s1  }
0x4: {  	s18 =	sshll.u32 s0, $0xA;
	s2 =	sadd.s32 s3, s2  }
0x5: {  	s2 =	sadd.s32 s2, s18  }
0x6: {  	[smem:$0x3FC1] =	sst s2  }
0x7: {  	_ = 	snop  }
0x8: {  	s2 =	sld [smem:$0x3FD0];
	(tm) =	ssettm $0x1  }
0x9: {  	s19 =	sld [smem:$0x3FFB];
	_ =	sdelay $0x3  }
0xa: {  	_ =	strace s19  }
0xb: {  	s3 =	sld [smem:$0x3FFC];
	_ =	sdelay $0x3  }
0xc: {  	_ =	strace s3  }
0xd: {  	s3 =	sld [smem:$0x3FFD];
	_ =	sdelay $0x3  }
0xe: {  	_ =	strace s3  }
0xf: {  	_ =	strace $0x8FFFFFFF  }
0x10: {  	s20 =	sld [smem:$0x3FDB];
	_ =	sdelay $0x1  }
0x11: {  	s4 =	simm.s32 $_scs_section_size  }
0x12: {  	s5 =	simm.s32 $_size__tile_overlayer_lowered;
	s6 =	simm.s32 $_tile_overlayer_lowered  }
0x13: {  	s23 =	simm.s32 $0x1BFF;
	s22 =	sshll.u32 s6, $0x1;
	s3 =	sadd.s32 s4, s20  }
0x14: {  	s7 =	simm.s32 $0x0;
	s21 =	sshll.u32 s5, $0x1;
	s5 =	sadd.s32 s22, s3  }
0x15: {  	[timem:s7], [sflag:s23] =	dma.local [hbm:s5], s21  }
0x16: {  	_ =	swait.ge [sflag:s23], s21  }
0x17: {  	s4 =	ssub.s32 $0x0, s21;
	[sflag:s23] =	ssyncset.done $0x0  }
0x18: {  	[sflag:s23] =	ssyncadd.s32 s4;
	_ =	sdelay $0x1  }
0x19: {  	s24 =	simm.s32 $0x1B8B  }
0x1a: {  	_ =	swait.ge [sflag:s24], $0x1  }
0x1b: {  	[sflag:s24] =	ssyncset.done $0x0  }
0x1c: {  	s26 =	simm.s32 $0x1B8E;
	s25 =	sld [smem:$0x3FFE];
	[sflag:s24] =	ssyncadd.s32 $0xFFFFFFFF  }
0x1d: {  	s27 =	simm.s32 $execute0_lowered;
	[smem:$0x3FD2] =	sst s26  }
0x1e: {  	s5 =	sshll.u32 s27, $0x1;
	_ =	strace $0x80000046;
	[dreg:$0x1] =	wrdreg $0xFFFFFFFF  }
0x1f: {  	s28 =	simm.s32 $_size_execute0_lowered;
	s3 =	sadd.s32 s3, s5;
	[dreg:$0x0] =	wrdreg $0x0  }
0x20: {  	s5 =	sshll.u32 s28, $0x1;
	[dreg:$0x2] =	wrdreg s3  }
0x21: {  	[dreg:$0x3] =	wrdreg s5  }
0x22: {  	[dreg:$0x4] =	wrdreg $0xC0  }
0x23: {  	_ =	task [dreg:s7], $0x5FFFF  }
0x24: {  	[dreg:$0x1] =	wrdreg $0xFFFFFFFF  }
0x25: {  	[dreg:$0x0] =	wrdreg $0x60  }
0x26: {  	[dreg:$0x2] =	wrdreg s25  }
0x27: {  	[dreg:$0x3] =	wrdreg s2  }
0x28: {  	[dreg:$0x4] =	wrdreg $0x9  }
0x29: {  	_ =	task.clear_ibuf [dreg:s7], $0x5FFFF;
	_ =	strace $0x90000046  }
0x2a: {  	s29 =	simm.s32 $0x9;
	_ =	strace $0x80000048  }
0x2b: {  	_ =	swait.ge [sflag:s29], $0x1  }
0x2c: {  	[sflag:s29] =	ssyncadd.s32 $0xFFFFFFFF  }
0x2d: {  	_ =	strace $0x90000048  }
0x2e: {  	_ =	sfence  }
0x2f: {  	s30 =	sld [smem:$0x0];
	_ =	sdelay $0x2  }
0x30: {  	s31 =	sshll.u32 s1, $0xD;
	s1 =	sshrl.u32 s1, $0x2  }
0x31: {  	s3 =	sand.u32 $0x4000, s31;
	s1 =	sadd.s32 s1, s30  }
0x32: {  	s0 =	sor.u32 s3, s0;
	s1 =	sshll.u32 s1, $0x11  }
0x33: {  	s0 =	sor.u32 s1, s0  }
0x34: {  	s0 =	sadd.s32 $0x8F2B, s0  }
0x35: {  	[sflag:s0] =	ssyncadd.remote.s32 $0x1  }
0x36: {  	_ =	sfence.sel $0xFFFF  }
0x37: {  	[dreg:$0x0] =	wrdreg $0xFFFFFFFF;
	(pc) =	sbr.abs _section_cstart, $3  }
0x38: {  	[dreg:$0x1] =	wrdreg $0xFFFFFFFF  }
0x39: {  	_ =	task.clear_ibuf [dreg:s7], $0x2FFFF;
	_ =	strace $0x9FFFFFFF  }
0x3a: {  	(tm) =	ssettm $0x7FFFFFFF  }
0x3b: {  	_ =	shalt  }
tec
execute0_lowered:
.L_overlay_start_1:
0x0: {  	(tag) =	ssettag $0x1  }
0x1: {  	s0 =	stileid.u32  }
0x2: {  	s1 =	srdreg.scid;
	s7 =	rddreg [dreg:$0x0]  }
0x3: {  	s31 =	simm.s32 $0x2;
	s14 =	simm.s32 $0x0;
	s13 =	simm.s32 $0x0  }
0x4: {  	s12 =	simm.s32 $0x0;
	s2 =	sshll.u32 s0, $0x6;
	s1 =	sshll.u32 s1, $0xA  }
0x5: {  	s3 =	sshll.u32 s0, $0x7;
	s1 =	sor.u32 s2, s1;
	s2 =	rddreg [dreg:$0x1]  }
0x6: {  	s3 =	sand.u32 $0x80, s3;
	s4 =	sand.u32 $0x780, s1;
	s1 =	rddreg [dreg:$0x2]  }
0x7: {  	s5 =	ssub.s32 $0x100, s3;
	_ =	strace $0x80000047;
	s6 =	ssub.s32 $0x20000, s4  }
0x8: {  	s8 =	sshrl.u32 s5, $0x8;
	s5 =	sshrl.u32 s5, $0x7;
	s9 =	sand.u32 $0x780, s6  }
0x9: {  	s10 =	sand.u32 $0x1, s5;
	p0 =	sne.s32 s9, $0x0;
	s9 =	simm.s32 $0x1  }
.Ltmp0:
0xa: {  	s6 =	sshrl.u32 s6, $0xB;
	s9 =	simm.s32 @!p0 $0x0;
	(pc) =	sbr.rel .LBB1_1-.Ltmp0, $4  }
0xb: {  	s5 =	simm.s32 $0x1;
	s8 =	sadd.s32 s8, s10;
	s6 =	sadd.s32 s9, s6  }
0xc: {  	s7 =	sadd.s32 $0x8400, s7;
	[sflag:s5] =	ssyncpa.u1 $0x0;
	s6 =	smul.u32 s8, s6  }
0xd: {  	s11 =	smov.u32 s3;
	s10 =	smov.u32 s4;
	[sflag:s31] =	ssyncpa.u1 $0x0  }
0xe: {  	p0 =	por $0x0, $0x0;
	s9 =	simm.s32 $0x800;
	s8 =	sadd.s32 $0x1, s6  }
.LBB1_4:
0xf: {  	v5 =	vld [tilespmem:s18+$0xFFFFFFD0]  }
0x10: {  	[tilespmem:s17+$0x2040 ss:$0x81] =	vst.msk $0xffff, v1;
	v58 =	vld [tilespmem:s18+$0xFFFFFFE0]  }
0x11: {  	[tilespmem:s17+$0x2850 ss:$0x81] =	vst.msk $0xffff, v2;
	v59 =	vld [tilespmem:s18+$0xFFFFFFF0]  }
0x12: {  	s19 =	sshra.s32 s19, $0x2;
	[tilespmem:s17+$0x3060 ss:$0x81] =	vst.msk $0xffff, v3;
	v60 =	vld [tilespmem:s18+$0x0]  }
0x13: {  	[tilespmem:s17+$0x0 ss:$0x81] =	vst.msk $0xffff, v0;
	v61 =	vld [tilespmem:s18+$0x10];
	s16 =	sadd.s32 s19, s16  }
0x14: {  	v62 =	vld [tilespmem:s18+$0x20];
	[tilespmem:s16+$0x3870 ss:$0x81] =	vst.msk $0xffff, v4  }
0x15: {  	v63 =	vld [tilespmem:s18+$0xFFFFFFC0];
	s27 =	sshll.u32 s14, $0x8;
	s28 =	sshll.u32 s13, $0x3;
	[tilespmem:s16+$0x810 ss:$0x81] =	vst.msk $0xffff, v5  }
0x16: {  	s29 =	sshll.u32 s14, $0x7;
	s17 =	sand.u32 $0x1FFF800, s27;
	s18 =	sand.u32 $0x1FFFC00, s28;
	[tilespmem:s16+$0x1020 ss:$0x81] =	vst.msk $0xffff, v58  }
0x17: {  	s30 =	sand.u32 $0x78, s13;
	s14 =	sand.u32 $0x380, s29;
	s17 =	sadd.s32 s18, s17;
	[tilespmem:s16+$0x1830 ss:$0x81] =	vst.msk $0xffff, v59  }
0x18: {  	s14 =	sor.u32 s30, s14;
	s17 =	sand.u32 $0x1FFFC00, s17;
	[tilespmem:s16+$0x2040 ss:$0x81] =	vst.msk $0xffff, v60  }
0x19: {  	s31 =	sand.u32 $0x7, s13;
	s14 =	sor.u32 s17, s14;
	[tilespmem:s16+$0x2850 ss:$0x81] =	vst.msk $0xffff, v61  }
0x1a: {  	s13 =	sshll.u32 s31, $0x12;
	[tilespmem:s16+$0x3060 ss:$0x81] =	vst.msk $0xffff, v62;
	s14 =	sshrl.u32 s14, $0x3  }
0x1b: {  	s13 =	sor.u32 $0x400, s13;
	[tilespmem:s16+$0x0 ss:$0x81] =	vst.msk $0xffff, v63;
	s14 =	sadd.s32 s2, s14  }
0x1c: {  	[hbm4b:s14+s13] =	stream.strided.scatter [tilespmem:s15], [sflag:$0x2], $0x4000, s9, s13, $0x20;
	[tilespmem:$0x10100] =	vst v63  }
.LBB1_5:
0x1d: {  	s15 =	sadd.s32 $0x800, s10  }
0x1e: {  	s13 =	sadd.s32 $0x100, s11;
	s17 =	smov.u32 s11;
	p2 =	sgt.s32 s15, $0x1FFFF  }
0x1f: {  	s17 =	smov.u32 @p2 s13  }
0x20: {  	s15 =	smov.u32 @p2 s4;
	p2 =	sgt.s32 s17, $0xFF  }
0x21: {  	s17 =	smov.u32 @p2 s3;
	p2 =	sne.s32 s12, s8  }
.Ltmp1:
0x22: {  	p1 =	slt.u32 s12, $0x2;
	(pc) =	sbr.rel @!p2 .LBB1_6-.Ltmp1, $4  }
0x23: {  	s16 =	simm.s32 @!p1 $0x2  }
0x24: {  	s14 =	smov.u32 s10;
	p0 =	por !p0, !p0;
	_ =	swait.ge @!p1 [sflag:s16], $0x4000  }
0x25: {  	s13 =	smov.u32 s11;
	[sflag:s16] =	ssyncset.done @!p1 $0x0;
	s10 =	smov.u32 s15  }
0x26: {  	s12 =	sadd.s32 $0x1, s12;
	[sflag:s16] =	ssyncadd.s32 @!p1 $0xFFFFC000;
	s11 =	smov.u32 s17  }
.LBB1_1:
0x27: {  	p1 =	sge.u32 s12, s6;
	s31 =	sadd.s32 $0xFFFFFFFF, s12  }
0x28: {  	s15 =	sand.u32 @!p1 $0x78, s10;
	s16 =	sshll.u32 @!p1 s11, $0x11;
	s17 =	sshll.u32 @!p1 s11, $0x7  }
0x29: {  	s18 =	sshll.u32 @!p1 s10, $0x3;
	s16 =	sand.u32 @!p1 $0x1F00000, s16;
	s17 =	sand.u32 @!p1 $0x380, s17  }
0x2a: {  	s16 =	sadd.s32 @!p1 s16, s18;
	s18 =	sand.u32 @!p1 $0x1FC00, s18;
	s15 =	sor.u32 @!p1 s17, s15  }
0x2b: {  	s17 =	sxor.u32 @!p1 $0xFFFFFFFF, s12;
	s16 =	sand.u32 @!p1 $0x1FE0000, s16;
	s15 =	sor.u32 @!p1 s18, s15  }
0x2c: {  	s17 =	sshll.u32 @!p1 s17, $0xE;
	s15 =	sor.u32 @!p1 s16, s15;
	s16 =	sand.u32 @!p1 $0x7, s10  }
0x2d: {  	s18 =	simm.s32 @!p1 $0x100000;
	s15 =	sshrl.u32 @!p1 s15, $0x3;
	s16 =	sshll.u32 @!p1 s16, $0x12  }
0x2e: {  	s17 =	sand.u32 @!p1 $0x4000, s17;
	s15 =	sadd.s32 @!p1 s7, s15;
	s16 =	sor.u32 @!p1 $0x400, s16  }
0x2f: {  	[tilespmem:s17], [sflag:$0x1] =	stream.strided.gather @!p1 [hbm4b:s15+s16], $0x4000, s18, s16, $0x38;
	[tilespmem:$0x10100] =	vst v63  }
0x30: {  	p1 =	sge.u32 s31, s6  }
.Ltmp2:
0x31: {  	_ = 	snop;
	(pc) =	sbr.rel @p1 .LBB1_5-.Ltmp2, $1  }
0x32: {  	_ =	sdelay $0x3  }
0x33: {  	s15 =	simm.s32 $0x1  }
0x34: {  	_ =	swait.ge [sflag:s5], $0x4000;
	s15 =	simm.s32 @!p0 $0x0  }
0x35: {  	[sflag:s5] =	ssyncset.done $0x0;
	s16 =	sshll.u32 s15, $0xE  }
0x36: {  	[sflag:s5] =	ssyncadd.s32 $0xFFFFC000;
	s18 =	sor.u32 $0x40, s16  }
0x37: {  	s15 =	smul.u32 $0x10200, s15;
	v0 =	vld [tilespmem:s18+$0x30]  }
0x38: {  	v3 =	vld [tilespmem:s18+$0xFFFFFFD0]  }
0x39: {  	s15 =	sshrl.u32 s15, $0x2;
	v4 =	vld [tilespmem:s18+$0xFFFFFFE0]  }
0x3a: {  	v5 =	vld [tilespmem:s18+$0xFFFFFFF0];
	s16 =	sor.u32 $0x8000, s15  }
0x3b: {  	s31 =	sand.u32 $0x1, s12;
	v1 =	vld [tilespmem:s18+$0x0];
	s17 =	sadd.s32 $0x0, s16  }
0x3c: {  	v2 =	vld [tilespmem:s18+$0x10];
	s15 =	smul.u32 $0x10200, s31;
	[tilespmem:s17+$0x3870 ss:$0x81] =	vst.msk $0xffff, v0  }
0x3d: {  	[tilespmem:s17+$0x810 ss:$0x81] =	vst.msk $0xffff, v3;
	v3 =	vld [tilespmem:s18+$0x20]  }
0x3e: {  	s15 =	sshrl.u32 s15, $0x2;
	v0 =	vld [tilespmem:s18+$0xFFFFFFC0];
	[tilespmem:s17+$0x1020 ss:$0x81] =	vst.msk $0xffff, v4;
	s18 =	sadd.s32 $0x80, s18  }
0x3f: {  	s19 =	simm.s32 $0x4;
	s20 =	simm.s32 $0x8;
	s15 =	sor.u32 $0x8000, s15;
	[tilespmem:s17+$0x1830 ss:$0x81] =	vst.msk $0xffff, v5;
	v4 =	vld [tilespmem:s18+$0x30]  }
.LBB1_3:
0x40: {  	p1 =	sne.s32 s20, $0x1FC;
	v5 =	vld [tilespmem:s18+$0xFFFFFFD0];
	[tilespmem:s17+$0x2040 ss:$0x81] =	vst.msk $0xffff, v1  }
0x41: {  	v6 =	vld [tilespmem:s18+$0xFFFFFFE0];
	[tilespmem:s17+$0x2850 ss:$0x81] =	vst.msk $0xffff, v2  }
0x42: {  	s21 =	sshra.s32 s19, $0x2;
	s19 =	smov.u32 s20;
	v7 =	vld [tilespmem:s18+$0xFFFFFFF0];
	[tilespmem:s17+$0x3060 ss:$0x81] =	vst.msk $0xffff, v3  }
.Ltmp3:
0x43: {  	v1 =	vld [tilespmem:s18+$0x0];
	[tilespmem:s17+$0x0 ss:$0x81] =	vst.msk $0xffff, v0;
	s17 =	sadd.s32 s21, s16;
	(pc) =	sbr.rel @p1 .LBB1_3-.Ltmp3, $4  }
0x44: {  	v2 =	vld [tilespmem:s18+$0x10];
	[tilespmem:s17+$0x3870 ss:$0x81] =	vst.msk $0xffff, v4  }
0x45: {  	[tilespmem:s17+$0x810 ss:$0x81] =	vst.msk $0xffff, v5;
	v3 =	vld [tilespmem:s18+$0x20]  }
0x46: {  	v0 =	vld [tilespmem:s18+$0xFFFFFFC0];
	[tilespmem:s17+$0x1020 ss:$0x81] =	vst.msk $0xffff, v6;
	s18 =	sadd.s32 $0x80, s18  }
0x47: {  	s20 =	sadd.s32 $0x4, s20;
	v4 =	vld [tilespmem:s18+$0x30];
	[tilespmem:s17+$0x1830 ss:$0x81] =	vst.msk $0xffff, v7  }
.Ltmp4:
0x48: {  	_ = 	snop;
	(pc) =	sbr.rel .LBB1_4-.Ltmp4, $1  }
0x49: {  	_ =	sdelay $0x3  }
.LBB1_6:
0x4a: {  	_ =	sfence.sel $0x180000  }
0x4b: {  	s2 =	simm.s32 $0x1;
	[bflag:$0x0] =	sbarrier.arrive $0xFFFF  }
0x4c: {  	s31 =	simm.s32 $0x2;
	[sflag:s2] =	ssyncpa.u1 $0x1  }
0x4d: {  	[sflag:s31] =	ssyncpa.u1 $0x1  }
0x4e: {  	p0 =	sne.s32 s0, $0x0;
	_ =	strace $0x90000047  }
0x4f: {  	s0 =	sadd.s32 @!p0 $0x100000, s1;
	[bflag:$0x2] =	sbarrier.arrive $0xFFFF  }
0x50: {  	[sflag:s0] =	ssyncadd.tile.s32 @!p0 $0x1;
	_ =	shalt  }
.Lfunc_end1:
_tile_overlayer_lowered:
.L_overlay_start_2:
0x51: {  	(tag) =	ssettag $0x2  }
0x52: {  	s0 =	rddreg [dreg:$0x0];
	s2 =	stileid.u32  }
0x53: {  	s1 =	rddreg [dreg:$0x1];
	p0 =	sne.s32 s2, $0x0  }
0x54: {  	s3 =	rddreg [dreg:$0x2];
	[bflag:$0x3] =	sbarrier.arrive $0xFFFF;
	s2 =	simm.s32 @!p0 $0x1C01  }
0x55: {  	[timem:s3], [sflag:s2] =	dma.local @!p0 [hbm:s0], s1  }
0x56: {  	s0 =	simm.s32 @!p0 $0x1  }
0x57: {  	_ =	swait.ge @!p0 [sflag:s0], s1  }
0x58: {  	s1 =	ssub.s32 @!p0 $0x0, s1;
	[sflag:s0] =	ssyncset.done @!p0 $0x0  }
0x59: {  	[sflag:s0] =	ssyncadd.s32 @!p0 s1  }
0x5a: {  	[bflag:$0x3] =	sbarrier.arrive $0xFFFF  }
0x5b: {  	_ =	shalt  }

</sc_bundles>
